<compile_context>
chip_gen: v7x
topology: tpu7x:2x2x1
jax: 0.10.2.dev20260603
libtpu: 0.0.44.dev20260713+nightly
codegen_flags: <defaults>
</compile_context>

<pallas_src>
import functools
import math

import jax
import jax.numpy as jnp
from jax import lax
from jax.experimental import pallas as pl
from jax.experimental.pallas import tpu as pltpu
from jax.experimental.pallas import tpu_sc as plsc

TOP_K = 30
NUM_PE = 16
NUM_RBF = 16
EDGE_FEATURES = 128
KPAD = 32
FPAD = 48
ROWS = 2048
PAIR_BLK = 1920

SC_CORES = 2
SC_SUBCORES = 16
SC_LANES = 16
NWORKERS = SC_CORES * SC_SUBCORES



def _knn_body(x_ref, xt_ref, idx_ref):
    j = pl.program_id(1)
    r = idx_ref.shape[1]
    n = x_ref.shape[1]
    ngrp = n // 128
    xb = x_ref[0, pl.ds(j * r, r), :]
    bx, by, bz = xb[:, 0:1], xb[:, 1:2], xb[:, 2:3]
    ax = xt_ref[0, 0:1, :]
    ay = xt_ref[0, 1:2, :]
    az = xt_ref[0, 2:3, :]
    dx = bx - ax
    dy = by - ay
    dz = bz - az
    dist = jnp.sqrt(dx * dx + dy * dy + dz * dz + 1e-6)
    col = lax.broadcasted_iota(jnp.int32, (r, n), 1)
    lane128 = lax.broadcasted_iota(jnp.int32, (r, 128), 1)
    lane = lax.broadcasted_iota(jnp.int32, (r, KPAD), 1)
    inf = jnp.float32(float("inf"))

    def body(k, carry):
        d, idxs, pick = carry
        d = jnp.where(col == pick, inf, d)
        acc = d[:, 0:128]
        cidx = lane128
        for g in range(1, ngrp):
            dg = d[:, g * 128:(g + 1) * 128]
            c = dg < acc
            cidx = jnp.where(c, lane128 + g * 128, cidx)
            acc = jnp.where(c, dg, acc)
        m = jnp.min(acc, axis=1, keepdims=True)
        pick = jnp.min(jnp.where(acc == m, cidx, n), axis=1, keepdims=True)
        idxs = jnp.where(lane == k, pick, idxs)
        return d, idxs, pick

    _, idxs, _ = lax.fori_loop(
        0, TOP_K, body,
        (dist,
         jnp.zeros((r, KPAD), jnp.int32),
         jnp.full((r, 1), -1, jnp.int32)))
    idx_ref[0] = idxs[:, :TOP_K]


def _knn(x, xt):
    b, n, _ = x.shape
    grid = (b, n // ROWS)
    return pl.pallas_call(
        _knn_body,
        grid=grid,
        in_specs=[
            pl.BlockSpec((1, n, 3), lambda bb, j: (bb, 0, 0)),
            pl.BlockSpec((1, 3, n), lambda bb, j: (bb, 0, 0)),
        ],
        out_specs=pl.BlockSpec((1, ROWS, TOP_K), lambda bb, j: (bb, j, 0)),
        out_shape=jax.ShapeDtypeStruct((b, n, TOP_K), jnp.int32),
    )(x, xt)



def _cross(a, b):
    return (a[1] * b[2] - a[2] * b[1],
            a[2] * b[0] - a[0] * b[2],
            a[0] * b[1] - a[1] * b[0])


def _norm3(v):
    n = jnp.sqrt(v[0] * v[0] + v[1] * v[1] + v[2] * v[2])
    d = jnp.maximum(n, 1e-12)
    return (v[0] / d, v[1] / d, v[2] / d)


def _frames_body(xt_ref, ot_ref):
    xv = xt_ref[0]
    n = xv.shape[1]
    xs = pltpu.roll(xv, n - 1, axis=1)
    d = xs - xv
    u = _norm3((d[0:1], d[1:2], d[2:3]))
    u2 = tuple(pltpu.roll(c, 1, axis=1) for c in u)
    n2 = _norm3(_cross(u2, u))
    o1 = _norm3((u2[0] - u[0], u2[1] - u[1], u2[2] - u[2]))
    c3 = _cross(o1, n2)
    lanes = lax.broadcasted_iota(jnp.int32, (1, n), 1)
    valid = jnp.logical_and(lanes >= 1, lanes <= n - 3).astype(jnp.float32)
    rows = jnp.concatenate(
        [o1[0], o1[1], o1[2], n2[0], n2[1], n2[2], c3[0], c3[1], c3[2]],
        axis=0)
    ot_ref[0] = rows * valid


def _frames(xt):
    b, _, n = xt.shape
    return pl.pallas_call(
        _frames_body,
        grid=(b,),
        in_specs=[pl.BlockSpec((1, 3, n), lambda bb: (bb, 0, 0))],
        out_specs=pl.BlockSpec((1, 9, n), lambda bb: (bb, 0, 0)),
        out_shape=jax.ShapeDtypeStruct((b, 9, n), jnp.float32),
    )(xt)



def _gather_sc(table, eidx_flat):
    b, comps, n = table.shape
    nk = eidx_flat.shape[1]
    per_w = nk // NWORKERS
    chunks = per_w // SC_LANES
    mesh = plsc.VectorSubcoreMesh(
        core_axis_name="c", subcore_axis_name="s",
        num_cores=SC_CORES, num_subcores=SC_SUBCORES)

    @functools.partial(
        pl.kernel,
        out_type=jax.ShapeDtypeStruct((b, 2 * comps, nk), jnp.float32),
        mesh=mesh,
        compiler_params=pltpu.CompilerParams(needs_layout_passes=False),
        scratch_types=[
            pltpu.VMEM((comps, n), jnp.float32),
            pltpu.VMEM((per_w,), jnp.int32),
            pltpu.VMEM((2 * comps, per_w), jnp.float32),
        ],
    )
    def run(table_hbm, eidx_hbm, out_hbm, tab_v, idx_v, obuf_v):
        wid = lax.axis_index("s") * SC_CORES + lax.axis_index("c")
        base = wid * per_w
        for bb in range(b):
            pltpu.sync_copy(table_hbm.at[bb], tab_v)
            pltpu.sync_copy(eidx_hbm.at[bb, pl.ds(base, per_w)], idx_v)

            def chunk(i, carry):
                off = i * SC_LANES
                nbr = idx_v[pl.ds(off, SC_LANES)]
                pid = base + off + lax.broadcasted_iota(
                    jnp.int32, (SC_LANES,), 0)
                src = pid // TOP_K
                for c in range(comps):
                    row = jnp.full((SC_LANES,), c, jnp.int32)
                    obuf_v[c, pl.ds(off, SC_LANES)] = plsc.load_gather(
                        tab_v, [row, nbr])
                    obuf_v[comps + c, pl.ds(off, SC_LANES)] = plsc.load_gather(
                        tab_v, [row, src])
                return carry

            lax.fori_loop(0, chunks, chunk, 0)
            pltpu.sync_copy(obuf_v, out_hbm.at[bb, :, pl.ds(base, per_w)])

    return run(table, eidx_flat)



def _edge_body(gt_ref, ei_ref, wp_ref, vec_ref, out_ref):
    p0 = pl.program_id(1)
    pblk = PAIR_BLK
    g = gt_ref[0]
    oj = [g[i:i + 1] for i in range(9)]
    xj = [g[9 + i:10 + i] for i in range(3)]
    oi = [g[12 + i:13 + i] for i in range(9)]
    xi = [g[21 + i:22 + i] for i in range(3)]
    eidx = ei_ref[0].astype(jnp.float32)

    dvx = xi[0] - xj[0]
    dvy = xi[1] - xj[1]
    dvz = xi[2] - xj[2]
    dist = jnp.sqrt(dvx * dvx + dvy * dvy + dvz * dvz + 1e-6)

    pid = (lax.broadcasted_iota(jnp.int32, (1, pblk), 1) + p0 * pblk)
    node = (pid // TOP_K).astype(jnp.float32)
    dpos = eidx - node

    fexp = lax.broadcasted_iota(
        jnp.int32, (NUM_PE // 2, 1), 0).astype(jnp.float32)
    freq = jnp.exp(fexp * jnp.float32(-2.0 * math.log(10000.0) / NUM_PE))
    angles = dpos * freq
    pe_cos = jnp.cos(angles)
    pe_sin = jnp.sin(angles)

    mu = lax.broadcasted_iota(
        jnp.int32, (NUM_RBF, 1), 0).astype(jnp.float32) * jnp.float32(
            20.0 / (NUM_RBF - 1))
    rbf = jnp.exp(-jnp.square((dist - mu) / jnp.float32(20.0 / NUM_RBF)))

    def b16(v):
        return v.astype(jnp.bfloat16).astype(jnp.float32)

    dxn = [xj[c] - xi[c] for c in range(3)]
    oib = [b16(v) for v in oi]
    ojb = [b16(v) for v in oj]
    dxnb = [b16(v) for v in dxn]
    du = [oib[3 * a + 0] * dxnb[0] + oib[3 * a + 1] * dxnb[1]
          + oib[3 * a + 2] * dxnb[2] for a in range(3)]
    du = list(_norm3(du))

    r = [[oib[0 + a] * ojb[0 + bcol] + oib[3 + a] * ojb[3 + bcol]
          + oib[6 + a] * ojb[6 + bcol] for bcol in range(3)] for a in range(3)]
    rxx, ryy, rzz = r[0][0], r[1][1], r[2][2]
    mag = [0.5 * jnp.sqrt(jnp.abs(1.0 + t))
           for t in (rxx - ryy - rzz, -rxx + ryy - rzz, -rxx - ryy + rzz)]
    sgn = [jnp.sign(r[2][1] - r[1][2]),
           jnp.sign(r[0][2] - r[2][0]),
           jnp.sign(r[1][0] - r[0][1])]
    q = [sgn[a] * mag[a] for a in range(3)]
    w = jnp.sqrt(jax.nn.relu(1.0 + rxx + ryy + rzz)) / 2.0
    qn = jnp.sqrt(q[0] * q[0] + q[1] * q[1] + q[2] * q[2] + w * w)
    qd = jnp.maximum(qn, 1e-12)
    quat = [q[0] / qd, q[1] / qd, q[2] / qd, w / qd]

    feat = jnp.concatenate(
        [pe_cos, pe_sin, rbf] + du + quat
        + [jnp.zeros((FPAD - 39, pblk), jnp.float32)], axis=0)

    y = lax.dot_general(feat, wp_ref[...], (((0,), (0,)), ((), ())),
                        preferred_element_type=jnp.float32)
    y = y + vec_ref[0:1, :]
    mean = jnp.mean(y, axis=1, keepdims=True)
    cen = y - mean
    var = jnp.sum(cen * cen, axis=1, keepdims=True) / jnp.float32(
        EDGE_FEATURES - 1)
    sig = jnp.sqrt(var + 1e-6)
    out = vec_ref[1:2, :] * cen / sig + vec_ref[2:3, :]
    out_ref[0] = jnp.reshape(out, (PAIR_BLK // TOP_K, TOP_K, EDGE_FEATURES))


def _edge(gt, ei_flat, wp, vecs):
    b, _, nk = gt.shape
    n = nk // TOP_K
    nodes_blk = PAIR_BLK // TOP_K
    grid = (b, nk // PAIR_BLK)
    return pl.pallas_call(
        _edge_body,
        grid=grid,
        in_specs=[
            pl.BlockSpec((1, 24, PAIR_BLK), lambda bb, p: (bb, 0, p)),
            pl.BlockSpec((1, 1, PAIR_BLK), lambda bb, p: (bb, 0, p)),
            pl.BlockSpec((FPAD, EDGE_FEATURES), lambda bb, p: (0, 0)),
            pl.BlockSpec((3, EDGE_FEATURES), lambda bb, p: (0, 0)),
        ],
        out_specs=pl.BlockSpec((1, nodes_blk, TOP_K, EDGE_FEATURES),
                               lambda bb, p: (bb, p, 0, 0)),
        out_shape=jax.ShapeDtypeStruct((b, n, TOP_K, EDGE_FEATURES),
                                       jnp.float32),
    )(gt, ei_flat, wp, vecs)



def kernel(X, mask, W, b, gain, ln_bias):
    del mask
    bsz, n, _ = X.shape
    xt = jnp.swapaxes(X, 1, 2)

    e_idx = _knn(X, xt)

    ot = _frames(xt)
    table = jnp.concatenate([ot, xt], axis=1)

    nk = n * TOP_K
    ei_flat = e_idx.reshape(bsz, nk)
    gt = _gather_sc(table, ei_flat)

    wp = jnp.zeros((FPAD, EDGE_FEATURES), jnp.float32).at[:39].set(W.T)
    vecs = jnp.stack([b, gain, ln_bias], axis=0)
    e = _edge(gt, ei_flat.reshape(bsz, 1, nk), wp, vecs)
    return e, e_idx

# --- scband reference (transcript-rebuilt; emitter-appended) ---
"""Pipeline reference for scband-edge-features-53085795779045 (READ-ONLY COPY).

The authoritative reference and input builder live on the scoring server;
editing this copy changes nothing except your own understanding.
"""

import jax, jax.numpy as jnp
import numpy as np

TOP_K = 30
NUM_PE = 16
NUM_RBF = 16
EDGE_FEATURES = 128


def _normalize(x, axis=-1):
    n = jnp.linalg.norm(x, axis=axis, keepdims=True)
    return x / jnp.maximum(n, 1e-12)


def gather_nodes(nodes, neighbor_idx):
    B, N, K = neighbor_idx.shape
    C = nodes.shape[-1]
    flat = neighbor_idx.reshape(B, N * K)
    feats = jnp.take_along_axis(nodes, flat[:, :, None], axis=1)
    return feats.reshape(B, N, K, C)


def _dist(X, mask, eps=1e-6):
    mask_2D = mask[:, None, :] * mask[:, :, None]
    dX = X[:, None, :, :] - X[:, :, None, :]
    D = mask_2D * jnp.sqrt(jnp.sum(dX ** 2, axis=3) + eps)
    D_max = jnp.max(D, axis=-1, keepdims=True)
    D_adjust = D + (1.0 - mask_2D) * D_max
    neg_vals, E_idx = jax.lax.top_k(-D_adjust, TOP_K)
    return -neg_vals, E_idx


def _rbf(D):
    D_mu = jnp.linspace(0.0, 20.0, NUM_RBF).reshape(1, 1, 1, -1)
    D_sigma = 20.0 / NUM_RBF
    return jnp.exp(-((D[..., None] - D_mu) / D_sigma) ** 2)


def _quaternions(R):
    diag = jnp.diagonal(R, axis1=-2, axis2=-1)
    Rxx, Ryy, Rzz = diag[..., 0], diag[..., 1], diag[..., 2]
    magnitudes = 0.5 * jnp.sqrt(jnp.abs(1 + jnp.stack([Rxx - Ryy - Rzz, -Rxx + Ryy - Rzz, -Rxx - Ryy + Rzz], -1)))
    signs = jnp.sign(jnp.stack([R[..., 2, 1] - R[..., 1, 2], R[..., 0, 2] - R[..., 2, 0], R[..., 1, 0] - R[..., 0, 1]], -1))
    xyz = signs * magnitudes
    w = jnp.sqrt(jax.nn.relu(1 + jnp.sum(diag, -1, keepdims=True))) / 2.0
    Q = jnp.concatenate((xyz, w), -1)
    return _normalize(Q)


def _orientations(X, E_idx, eps=1e-6):
    B, N, _ = X.shape
    K = E_idx.shape[2]
    dX = X[:, 1:, :] - X[:, :-1, :]
    U = _normalize(dX)
    u_2 = U[:, :-2, :]
    u_1 = U[:, 1:-1, :]
    n_2 = _normalize(jnp.cross(u_2, u_1))
    o_1 = _normalize(u_2 - u_1)
    O = jnp.stack((o_1, n_2, jnp.cross(o_1, n_2)), axis=2)
    O = O.reshape(O.shape[0], O.shape[1], 9)
    O = jnp.pad(O, ((0, 0), (1, 2), (0, 0)))
    O_neighbors = gather_nodes(O, E_idx)
    X_neighbors = gather_nodes(X, E_idx)
    O = O.reshape(B, N, 3, 3)
    O_neighbors = O_neighbors.reshape(B, N, K, 3, 3)
    dXn = X_neighbors - X[:, :, None, :]
    dU = jnp.matmul(O[:, :, None], dXn[..., None])[..., 0]
    dU = _normalize(dU)
    R = jnp.matmul(jnp.swapaxes(O[:, :, None], -1, -2), O_neighbors)
    Q = _quaternions(R)
    return jnp.concatenate((dU, Q), axis=-1)


def _positional(E_idx):
    N = E_idx.shape[1]
    ii = jnp.arange(N, dtype=jnp.float32).reshape(1, -1, 1)
    d = (E_idx.astype(jnp.float32) - ii)[..., None]
    frequency = jnp.exp(jnp.arange(0, NUM_PE, 2, dtype=jnp.float32) * -(np.log(10000.0) / NUM_PE))
    angles = d * frequency.reshape(1, 1, 1, -1)
    return jnp.concatenate((jnp.cos(angles), jnp.sin(angles)), -1)


def setup_inputs(seed: int = 0):
    key = jax.random.key(seed)
    k1, k2 = jax.random.split(key, 2)
    B, N = 2, 2048
    X = jax.random.normal(k1, (B, N, 3), dtype=jnp.float32) * 3.0
    mask = jnp.ones((B, N), dtype=jnp.float32)
    in_dim = NUM_PE + NUM_RBF + 7
    W = jax.random.normal(k2, (EDGE_FEATURES, in_dim), dtype=jnp.float32) * 0.1
    b = jnp.zeros((EDGE_FEATURES,), dtype=jnp.float32)
    gain = jnp.ones((EDGE_FEATURES,), dtype=jnp.float32)
    ln_bias = jnp.zeros((EDGE_FEATURES,), dtype=jnp.float32)
    return {"X": X, "mask": mask, "W": W, "b": b, "gain": gain, "ln_bias": ln_bias}


def reference(X, mask, W, b, gain, ln_bias):
    D_neighbors, E_idx = _dist(X, mask)
    RBF = _rbf(D_neighbors)
    O_features = _orientations(X, E_idx)
    E_positional = _positional(E_idx)
    E = jnp.concatenate((E_positional, RBF, O_features), -1)
    E = jnp.matmul(E, W.T) + b
    mu = jnp.mean(E, axis=-1, keepdims=True)
    sigma = jnp.sqrt(jnp.var(E, axis=-1, keepdims=True, ddof=1) + 1e-6)
    E = gain * (E - mu) / sigma + ln_bias
    return E, E_idx

if __name__ == "__main__":
    import jax
    _d = setup_inputs()
    print(jax.jit(kernel)(*tuple(_d.values())))

</pallas_src>

<mosaic_0001>
#map = affine_map<(d0, d1) -> (0, 0, 0)>
#map1 = affine_map<(d0, d1) -> (0, 0)>
module attributes {stable_mosaic.version = 14 : i64} {
  func.func @run(%arg0: i32, %arg1: i32, %arg2: memref<2x12x2048xf32, #tpu.memory_space<hbm>>, %arg3: memref<2x61440xi32, #tpu.memory_space<hbm>>, %arg4: memref<2x24x61440xf32, #tpu.memory_space<hbm>>, %arg5: memref<12x2048xf32, #tpu.memory_space<vmem>>, %arg6: memref<1920xi32, #tpu.memory_space<vmem>>, %arg7: memref<24x1920xf32, #tpu.memory_space<vmem>>) attributes {dimension_semantics = [#tpu.dimension_semantics<core_parallel>, #tpu.dimension_semantics<subcore_parallel>], iteration_bounds = array<i64: 2, 16>, scalar_prefetch = 0 : i64, scratch_operands = 3 : i64, tpu.core_type = #tpu.core_type<sc_vector_subcore>, window_params = [{transform_indices = #map}, {transform_indices = #map1}, {transform_indices = #map}]} {
    %mul3A = arith.constant 2 : i32
    %mul3A_0 = arith.muli %arg1, %mul3A : i32
    %add3A = arith.addi %mul3A_0, %arg0 : i32
    %mul3A_1 = arith.constant 1920 : i32
    %mul3A_2 = arith.muli %add3A, %mul3A_1 : i32
    %run_scoped3A = arith.constant 0 : i32
    "tpu.region"() ({
      %run_scoped3A_19 = tpu.sem_alloc : memref<!tpu.dma_semaphore, #tpu.memory_space<semaphore_mem>>
      %dma_start3A = arith.constant 0 : i32
      %dma_start3A_20 = arith.constant 0 : i32
      %dma_start3A_21 = tpu.memref_slice %arg2[%run_scoped3A, %dma_start3A, %dma_start3A_20] : memref<2x12x2048xf32, #tpu.memory_space<hbm>> -> memref<1x12x2048xf32, #tpu.memory_space<hbm>>
      %dma_start3A_22 = tpu.memref_squeeze %dma_start3A_21 : memref<1x12x2048xf32, #tpu.memory_space<hbm>> -> memref<12x2048xf32, #tpu.memory_space<hbm>>
      %dma_start3A_23 = arith.constant 0 : i32
      %dma_start3A_24 = arith.constant 0 : i32
      %dma_start3A_25 = tpu.memref_slice %arg2[%run_scoped3A, %dma_start3A_23, %dma_start3A_24] : memref<2x12x2048xf32, #tpu.memory_space<hbm>> -> memref<1x12x2048xf32, #tpu.memory_space<hbm>>
      %dma_start3A_26 = tpu.memref_squeeze %dma_start3A_25 : memref<1x12x2048xf32, #tpu.memory_space<hbm>> -> memref<12x2048xf32, #tpu.memory_space<hbm>>
      tpu.enqueue_dma source(%dma_start3A_26 : memref<12x2048xf32, #tpu.memory_space<hbm>>) target(%arg5 : memref<12x2048xf32, #tpu.memory_space<vmem>>) target_semaphore(%run_scoped3A_19 : memref<!tpu.dma_semaphore, #tpu.memory_space<semaphore_mem>>)
      %dma_wait3A = arith.constant 0 : i32
      %dma_wait3A_27 = arith.constant 0 : i32
      %dma_wait3A_28 = tpu.memref_slice %arg2[%run_scoped3A, %dma_wait3A, %dma_wait3A_27] : memref<2x12x2048xf32, #tpu.memory_space<hbm>> -> memref<1x12x2048xf32, #tpu.memory_space<hbm>>
      %dma_wait3A_29 = tpu.memref_squeeze %dma_wait3A_28 : memref<1x12x2048xf32, #tpu.memory_space<hbm>> -> memref<12x2048xf32, #tpu.memory_space<hbm>>
      %dma_wait3A_30 = arith.constant 0 : i32
      %dma_wait3A_31 = arith.constant 0 : i32
      %dma_wait3A_32 = tpu.memref_slice %arg2[%run_scoped3A, %dma_wait3A_30, %dma_wait3A_31] : memref<2x12x2048xf32, #tpu.memory_space<hbm>> -> memref<1x12x2048xf32, #tpu.memory_space<hbm>>
      %dma_wait3A_33 = tpu.memref_squeeze %dma_wait3A_32 : memref<1x12x2048xf32, #tpu.memory_space<hbm>> -> memref<12x2048xf32, #tpu.memory_space<hbm>>
      tpu.wait_dma2 semaphore(%run_scoped3A_19 : memref<!tpu.dma_semaphore, #tpu.memory_space<semaphore_mem>>) src(%dma_wait3A_33 : memref<12x2048xf32, #tpu.memory_space<hbm>>) dst(%arg5 : memref<12x2048xf32, #tpu.memory_space<vmem>>)
      tpu.yield
    }) : () -> ()
    %run_scoped3A_3 = arith.constant 0 : i32
    "tpu.region"() ({
      %run_scoped3A_19 = tpu.sem_alloc : memref<!tpu.dma_semaphore, #tpu.memory_space<semaphore_mem>>
      %dma_start3A = tpu.memref_slice %arg3[%run_scoped3A_3, %mul3A_2] : memref<2x61440xi32, #tpu.memory_space<hbm>> -> memref<1x1920xi32, #tpu.memory_space<hbm>>
      %dma_start3A_20 = tpu.memref_squeeze %dma_start3A : memref<1x1920xi32, #tpu.memory_space<hbm>> -> memref<1920xi32, #tpu.memory_space<hbm>>
      %dma_start3A_21 = tpu.memref_slice %arg3[%run_scoped3A_3, %mul3A_2] : memref<2x61440xi32, #tpu.memory_space<hbm>> -> memref<1x1920xi32, #tpu.memory_space<hbm>>
      %dma_start3A_22 = tpu.memref_squeeze %dma_start3A_21 : memref<1x1920xi32, #tpu.memory_space<hbm>> -> memref<1920xi32, #tpu.memory_space<hbm>>
      tpu.enqueue_dma source(%dma_start3A_22 : memref<1920xi32, #tpu.memory_space<hbm>>) target(%arg6 : memref<1920xi32, #tpu.memory_space<vmem>>) target_semaphore(%run_scoped3A_19 : memref<!tpu.dma_semaphore, #tpu.memory_space<semaphore_mem>>)
      %dma_wait3A = tpu.memref_slice %arg3[%run_scoped3A_3, %mul3A_2] : memref<2x61440xi32, #tpu.memory_space<hbm>> -> memref<1x1920xi32, #tpu.memory_space<hbm>>
      %dma_wait3A_23 = tpu.memref_squeeze %dma_wait3A : memref<1x1920xi32, #tpu.memory_space<hbm>> -> memref<1920xi32, #tpu.memory_space<hbm>>
      %dma_wait3A_24 = tpu.memref_slice %arg3[%run_scoped3A_3, %mul3A_2] : memref<2x61440xi32, #tpu.memory_space<hbm>> -> memref<1x1920xi32, #tpu.memory_space<hbm>>
      %dma_wait3A_25 = tpu.memref_squeeze %dma_wait3A_24 : memref<1x1920xi32, #tpu.memory_space<hbm>> -> memref<1920xi32, #tpu.memory_space<hbm>>
      tpu.wait_dma2 semaphore(%run_scoped3A_19 : memref<!tpu.dma_semaphore, #tpu.memory_space<semaphore_mem>>) src(%dma_wait3A_25 : memref<1920xi32, #tpu.memory_space<hbm>>) dst(%arg6 : memref<1920xi32, #tpu.memory_space<vmem>>)
      tpu.yield
    }) : () -> ()
    %scan3A = arith.constant 0 : i32
    %scan3A_4 = arith.constant 0 : i32
    %scan3A_5 = arith.constant 120 : i32
    %scan3A_6 = arith.addi %scan3A_4, %scan3A_5 : i32
    %scan3A_7 = arith.constant 1 : i32
    scf.for %scan3A_19 = %scan3A_4 to %scan3A_6 step %scan3A_7  : i32 {
      %mul3A_20 = arith.constant 16 : i32
      %mul3A_21 = arith.muli %scan3A_19, %mul3A_20 : i32
      %get3A = arith.index_cast %mul3A_21 : i32 to index
      %get3A_22 = tpu.vector_load %arg6[%get3A] {strides = array<i32>} : memref<1920xi32, #tpu.memory_space<vmem>>, vector<16xi32>,
      %add3A_23 = arith.addi %mul3A_2, %mul3A_21 : i32
      %iota3A = tpu.iota {dimensions = array<i32: 0>} : vector<16xi32>
      %add3A_24 = vector.broadcast %add3A_23 : i32 to vector<16xi32>
      %add3A_25 = arith.addi %add3A_24, %iota3A : vector<16xi32>
      %jit3A = arith.constant 30 : i32
      %div3A = vector.broadcast %jit3A : i32 to vector<16xi32>
      %div3A_26 = arith.divsi %add3A_25, %div3A : vector<16xi32>
      %sign3A = arith.constant 0 : i32
      %sign3A_27 = vector.broadcast %sign3A : i32 to vector<16xi32>
      %sign3A_28 = arith.cmpi sgt, %add3A_25, %sign3A_27 : vector<16xi32>
      %sign3A_29 = arith.extui %sign3A_28 : vector<16xi1> to vector<16xi32>
      %sign3A_30 = arith.constant 0 : i32
      %sign3A_31 = vector.broadcast %sign3A_30 : i32 to vector<16xi32>
      %sign3A_32 = arith.cmpi slt, %add3A_25, %sign3A_31 : vector<16xi32>
      %sign3A_33 = arith.extui %sign3A_32 : vector<16xi1> to vector<16xi32>
      %sign3A_34 = arith.subi %sign3A_29, %sign3A_33 : vector<16xi32>
      %sign3A_35 = arith.constant 0 : i32
      %sign3A_36 = arith.cmpi sgt, %jit3A, %sign3A_35 : i32
      %sign3A_37 = arith.extui %sign3A_36 : i1 to i32
      %sign3A_38 = arith.constant 0 : i32
      %sign3A_39 = arith.cmpi slt, %jit3A, %sign3A_38 : i32
      %sign3A_40 = arith.extui %sign3A_39 : i1 to i32
      %sign3A_41 = arith.subi %sign3A_37, %sign3A_40 : i32
      %ne3A = vector.broadcast %sign3A_41 : i32 to vector<16xi32>
      %ne3A_42 = arith.cmpi ne, %sign3A_34, %ne3A : vector<16xi32>
      %rem3A = vector.broadcast %jit3A : i32 to vector<16xi32>
      %rem3A_43 = arith.remsi %add3A_25, %rem3A : vector<16xi32>
      %ne3A_44 = arith.constant 0 : i32
      %ne3A_45 = vector.broadcast %ne3A_44 : i32 to vector<16xi32>
      %ne3A_46 = arith.cmpi ne, %rem3A_43, %ne3A_45 : vector<16xi32>
      %and3A = arith.andi %ne3A_42, %ne3A_46 : vector<16xi1>
      %sub3A = arith.constant 1 : i32
      %sub3A_47 = vector.broadcast %sub3A : i32 to vector<16xi32>
      %sub3A_48 = arith.subi %div3A_26, %sub3A_47 : vector<16xi32>
      %select_n3A = arith.select %and3A, %sub3A_48, %div3A_26 : vector<16xi1>, vector<16xi32>
      %broadcast_in_dim3A = arith.constant 0 : i32
      %broadcast_in_dim3A_49 = vector.broadcast %broadcast_in_dim3A : i32 to vector<16xi32>
      %gather3A = tpu.vector_load_idx %arg5[%broadcast_in_dim3A_49, %get3A_22] : memref<12x2048xf32, #tpu.memory_space<vmem>>[vector<16xi32>, vector<16xi32>], vector<16xf32>,
      %swap3A = arith.constant 0 : i32
      %swap3A_50 = arith.index_cast %swap3A : i32 to index
      %swap3A_51 = arith.index_cast %mul3A_21 : i32 to index
      %swap3A_52 = tpu.vector_load %arg7[%swap3A_50, %swap3A_51] {strides = array<i32>} : memref<24x1920xf32, #tpu.memory_space<vmem>>, vector<16xf32>,
      tpu.vector_store %arg7[%swap3A_50, %swap3A_51], %gather3A {strides = array<i32>} : memref<24x1920xf32, #tpu.memory_space<vmem>>, vector<16xf32>,
      %gather3A_53 = tpu.vector_load_idx %arg5[%broadcast_in_dim3A_49, %select_n3A] : memref<12x2048xf32, #tpu.memory_space<vmem>>[vector<16xi32>, vector<16xi32>], vector<16xf32>,
      %swap3A_54 = arith.constant 12 : i32
      %swap3A_55 = arith.index_cast %swap3A_54 : i32 to index
      %swap3A_56 = arith.index_cast %mul3A_21 : i32 to index
      %swap3A_57 = tpu.vector_load %arg7[%swap3A_55, %swap3A_56] {strides = array<i32>} : memref<24x1920xf32, #tpu.memory_space<vmem>>, vector<16xf32>,
      tpu.vector_store %arg7[%swap3A_55, %swap3A_56], %gather3A_53 {strides = array<i32>} : memref<24x1920xf32, #tpu.memory_space<vmem>>, vector<16xf32>,
      %broadcast_in_dim3A_58 = arith.constant 1 : i32
      %broadcast_in_dim3A_59 = vector.broadcast %broadcast_in_dim3A_58 : i32 to vector<16xi32>
      %gather3A_60 = tpu.vector_load_idx %arg5[%broadcast_in_dim3A_59, %get3A_22] : memref<12x2048xf32, #tpu.memory_space<vmem>>[vector<16xi32>, vector<16xi32>], vector<16xf32>,
      %swap3A_61 = arith.constant 1 : i32
      %swap3A_62 = arith.index_cast %swap3A_61 : i32 to index
      %swap3A_63 = arith.index_cast %mul3A_21 : i32 to index
      %swap3A_64 = tpu.vector_load %arg7[%swap3A_62, %swap3A_63] {strides = array<i32>} : memref<24x1920xf32, #tpu.memory_space<vmem>>, vector<16xf32>,
      tpu.vector_store %arg7[%swap3A_62, %swap3A_63], %gather3A_60 {strides = array<i32>} : memref<24x1920xf32, #tpu.memory_space<vmem>>, vector<16xf32>,
      %gather3A_65 = tpu.vector_load_idx %arg5[%broadcast_in_dim3A_59, %select_n3A] : memref<12x2048xf32, #tpu.memory_space<vmem>>[vector<16xi32>, vector<16xi32>], vector<16xf32>,
      %swap3A_66 = arith.constant 13 : i32
      %swap3A_67 = arith.index_cast %swap3A_66 : i32 to index
      %swap3A_68 = arith.index_cast %mul3A_21 : i32 to index
      %swap3A_69 = tpu.vector_load %arg7[%swap3A_67, %swap3A_68] {strides = array<i32>} : memref<24x1920xf32, #tpu.memory_space<vmem>>, vector<16xf32>,
      tpu.vector_store %arg7[%swap3A_67, %swap3A_68], %gather3A_65 {strides = array<i32>} : memref<24x1920xf32, #tpu.memory_space<vmem>>, vector<16xf32>,
      %broadcast_in_dim3A_70 = arith.constant 2 : i32
      %broadcast_in_dim3A_71 = vector.broadcast %broadcast_in_dim3A_70 : i32 to vector<16xi32>
      %gather3A_72 = tpu.vector_load_idx %arg5[%broadcast_in_dim3A_71, %get3A_22] : memref<12x2048xf32, #tpu.memory_space<vmem>>[vector<16xi32>, vector<16xi32>], vector<16xf32>,
      %swap3A_73 = arith.constant 2 : i32
      %swap3A_74 = arith.index_cast %swap3A_73 : i32 to index
      %swap3A_75 = arith.index_cast %mul3A_21 : i32 to index
      %swap3A_76 = tpu.vector_load %arg7[%swap3A_74, %swap3A_75] {strides = array<i32>} : memref<24x1920xf32, #tpu.memory_space<vmem>>, vector<16xf32>,
      tpu.vector_store %arg7[%swap3A_74, %swap3A_75], %gather3A_72 {strides = array<i32>} : memref<24x1920xf32, #tpu.memory_space<vmem>>, vector<16xf32>,
      %gather3A_77 = tpu.vector_load_idx %arg5[%broadcast_in_dim3A_71, %select_n3A] : memref<12x2048xf32, #tpu.memory_space<vmem>>[vector<16xi32>, vector<16xi32>], vector<16xf32>,
      %swap3A_78 = arith.constant 14 : i32
      %swap3A_79 = arith.index_cast %swap3A_78 : i32 to index
      %swap3A_80 = arith.index_cast %mul3A_21 : i32 to index
      %swap3A_81 = tpu.vector_load %arg7[%swap3A_79, %swap3A_80] {strides = array<i32>} : memref<24x1920xf32, #tpu.memory_space<vmem>>, vector<16xf32>,
      tpu.vector_store %arg7[%swap3A_79, %swap3A_80], %gather3A_77 {strides = array<i32>} : memref<24x1920xf32, #tpu.memory_space<vmem>>, vector<16xf32>,
      %broadcast_in_dim3A_82 = arith.constant 3 : i32
      %broadcast_in_dim3A_83 = vector.broadcast %broadcast_in_dim3A_82 : i32 to vector<16xi32>
      %gather3A_84 = tpu.vector_load_idx %arg5[%broadcast_in_dim3A_83, %get3A_22] : memref<12x2048xf32, #tpu.memory_space<vmem>>[vector<16xi32>, vector<16xi32>], vector<16xf32>,
      %swap3A_85 = arith.constant 3 : i32
      %swap3A_86 = arith.index_cast %swap3A_85 : i32 to index
      %swap3A_87 = arith.index_cast %mul3A_21 : i32 to index
      %swap3A_88 = tpu.vector_load %arg7[%swap3A_86, %swap3A_87] {strides = array<i32>} : memref<24x1920xf32, #tpu.memory_space<vmem>>, vector<16xf32>,
      tpu.vector_store %arg7[%swap3A_86, %swap3A_87], %gather3A_84 {strides = array<i32>} : memref<24x1920xf32, #tpu.memory_space<vmem>>, vector<16xf32>,
      %gather3A_89 = tpu.vector_load_idx %arg5[%broadcast_in_dim3A_83, %select_n3A] : memref<12x2048xf32, #tpu.memory_space<vmem>>[vector<16xi32>, vector<16xi32>], vector<16xf32>,
      %swap3A_90 = arith.constant 15 : i32
      %swap3A_91 = arith.index_cast %swap3A_90 : i32 to index
      %swap3A_92 = arith.index_cast %mul3A_21 : i32 to index
      %swap3A_93 = tpu.vector_load %arg7[%swap3A_91, %swap3A_92] {strides = array<i32>} : memref<24x1920xf32, #tpu.memory_space<vmem>>, vector<16xf32>,
      tpu.vector_store %arg7[%swap3A_91, %swap3A_92], %gather3A_89 {strides = array<i32>} : memref<24x1920xf32, #tpu.memory_space<vmem>>, vector<16xf32>,
      %broadcast_in_dim3A_94 = arith.constant 4 : i32
      %broadcast_in_dim3A_95 = vector.broadcast %broadcast_in_dim3A_94 : i32 to vector<16xi32>
      %gather3A_96 = tpu.vector_load_idx %arg5[%broadcast_in_dim3A_95, %get3A_22] : memref<12x2048xf32, #tpu.memory_space<vmem>>[vector<16xi32>, vector<16xi32>], vector<16xf32>,
      %swap3A_97 = arith.constant 4 : i32
      %swap3A_98 = arith.index_cast %swap3A_97 : i32 to index
      %swap3A_99 = arith.index_cast %mul3A_21 : i32 to index
      %swap3A_100 = tpu.vector_load %arg7[%swap3A_98, %swap3A_99] {strides = array<i32>} : memref<24x1920xf32, #tpu.memory_space<vmem>>, vector<16xf32>,
      tpu.vector_store %arg7[%swap3A_98, %swap3A_99], %gather3A_96 {strides = array<i32>} : memref<24x1920xf32, #tpu.memory_space<vmem>>, vector<16xf32>,
      %gather3A_101 = tpu.vector_load_idx %arg5[%broadcast_in_dim3A_95, %select_n3A] : memref<12x2048xf32, #tpu.memory_space<vmem>>[vector<16xi32>, vector<16xi32>], vector<16xf32>,
      %swap3A_102 = arith.constant 16 : i32
      %swap3A_103 = arith.index_cast %swap3A_102 : i32 to index
      %swap3A_104 = arith.index_cast %mul3A_21 : i32 to index
      %swap3A_105 = tpu.vector_load %arg7[%swap3A_103, %swap3A_104] {strides = array<i32>} : memref<24x1920xf32, #tpu.memory_space<vmem>>, vector<16xf32>,
      tpu.vector_store %arg7[%swap3A_103, %swap3A_104], %gather3A_101 {strides = array<i32>} : memref<24x1920xf32, #tpu.memory_space<vmem>>, vector<16xf32>,
      %broadcast_in_dim3A_106 = arith.constant 5 : i32
      %broadcast_in_dim3A_107 = vector.broadcast %broadcast_in_dim3A_106 : i32 to vector<16xi32>
      %gather3A_108 = tpu.vector_load_idx %arg5[%broadcast_in_dim3A_107, %get3A_22] : memref<12x2048xf32, #tpu.memory_space<vmem>>[vector<16xi32>, vector<16xi32>], vector<16xf32>,
      %swap3A_109 = arith.constant 5 : i32
      %swap3A_110 = arith.index_cast %swap3A_109 : i32 to index
      %swap3A_111 = arith.index_cast %mul3A_21 : i32 to index
      %swap3A_112 = tpu.vector_load %arg7[%swap3A_110, %swap3A_111] {strides = array<i32>} : memref<24x1920xf32, #tpu.memory_space<vmem>>, vector<16xf32>,
      tpu.vector_store %arg7[%swap3A_110, %swap3A_111], %gather3A_108 {strides = array<i32>} : memref<24x1920xf32, #tpu.memory_space<vmem>>, vector<16xf32>,
      %gather3A_113 = tpu.vector_load_idx %arg5[%broadcast_in_dim3A_107, %select_n3A] : memref<12x2048xf32, #tpu.memory_space<vmem>>[vector<16xi32>, vector<16xi32>], vector<16xf32>,
      %swap3A_114 = arith.constant 17 : i32
      %swap3A_115 = arith.index_cast %swap3A_114 : i32 to index
      %swap3A_116 = arith.index_cast %mul3A_21 : i32 to index
      %swap3A_117 = tpu.vector_load %arg7[%swap3A_115, %swap3A_116] {strides = array<i32>} : memref<24x1920xf32, #tpu.memory_space<vmem>>, vector<16xf32>,
      tpu.vector_store %arg7[%swap3A_115, %swap3A_116], %gather3A_113 {strides = array<i32>} : memref<24x1920xf32, #tpu.memory_space<vmem>>, vector<16xf32>,
      %broadcast_in_dim3A_118 = arith.constant 6 : i32
      %broadcast_in_dim3A_119 = vector.broadcast %broadcast_in_dim3A_118 : i32 to vector<16xi32>
      %gather3A_120 = tpu.vector_load_idx %arg5[%broadcast_in_dim3A_119, %get3A_22] : memref<12x2048xf32, #tpu.memory_space<vmem>>[vector<16xi32>, vector<16xi32>], vector<16xf32>,
      %swap3A_121 = arith.constant 6 : i32
      %swap3A_122 = arith.index_cast %swap3A_121 : i32 to index
      %swap3A_123 = arith.index_cast %mul3A_21 : i32 to index
      %swap3A_124 = tpu.vector_load %arg7[%swap3A_122, %swap3A_123] {strides = array<i32>} : memref<24x1920xf32, #tpu.memory_space<vmem>>, vector<16xf32>,
      tpu.vector_store %arg7[%swap3A_122, %swap3A_123], %gather3A_120 {strides = array<i32>} : memref<24x1920xf32, #tpu.memory_space<vmem>>, vector<16xf32>,
      %gather3A_125 = tpu.vector_load_idx %arg5[%broadcast_in_dim3A_119, %select_n3A] : memref<12x2048xf32, #tpu.memory_space<vmem>>[vector<16xi32>, vector<16xi32>], vector<16xf32>,
      %swap3A_126 = arith.constant 18 : i32
      %swap3A_127 = arith.index_cast %swap3A_126 : i32 to index
      %swap3A_128 = arith.index_cast %mul3A_21 : i32 to index
      %swap3A_129 = tpu.vector_load %arg7[%swap3A_127, %swap3A_128] {strides = array<i32>} : memref<24x1920xf32, #tpu.memory_space<vmem>>, vector<16xf32>,
      tpu.vector_store %arg7[%swap3A_127, %swap3A_128], %gather3A_125 {strides = array<i32>} : memref<24x1920xf32, #tpu.memory_space<vmem>>, vector<16xf32>,
      %broadcast_in_dim3A_130 = arith.constant 7 : i32
      %broadcast_in_dim3A_131 = vector.broadcast %broadcast_in_dim3A_130 : i32 to vector<16xi32>
      %gather3A_132 = tpu.vector_load_idx %arg5[%broadcast_in_dim3A_131, %get3A_22] : memref<12x2048xf32, #tpu.memory_space<vmem>>[vector<16xi32>, vector<16xi32>], vector<16xf32>,
      %swap3A_133 = arith.constant 7 : i32
      %swap3A_134 = arith.index_cast %swap3A_133 : i32 to index
      %swap3A_135 = arith.index_cast %mul3A_21 : i32 to index
      %swap3A_136 = tpu.vector_load %arg7[%swap3A_134, %swap3A_135] {strides = array<i32>} : memref<24x1920xf32, #tpu.memory_space<vmem>>, vector<16xf32>,
      tpu.vector_store %arg7[%swap3A_134, %swap3A_135], %gather3A_132 {strides = array<i32>} : memref<24x1920xf32, #tpu.memory_space<vmem>>, vector<16xf32>,
      %gather3A_137 = tpu.vector_load_idx %arg5[%broadcast_in_dim3A_131, %select_n3A] : memref<12x2048xf32, #tpu.memory_space<vmem>>[vector<16xi32>, vector<16xi32>], vector<16xf32>,
      %swap3A_138 = arith.constant 19 : i32
      %swap3A_139 = arith.index_cast %swap3A_138 : i32 to index
      %swap3A_140 = arith.index_cast %mul3A_21 : i32 to index
      %swap3A_141 = tpu.vector_load %arg7[%swap3A_139, %swap3A_140] {strides = array<i32>} : memref<24x1920xf32, #tpu.memory_space<vmem>>, vector<16xf32>,
      tpu.vector_store %arg7[%swap3A_139, %swap3A_140], %gather3A_137 {strides = array<i32>} : memref<24x1920xf32, #tpu.memory_space<vmem>>, vector<16xf32>,
      %broadcast_in_dim3A_142 = arith.constant 8 : i32
      %broadcast_in_dim3A_143 = vector.broadcast %broadcast_in_dim3A_142 : i32 to vector<16xi32>
      %gather3A_144 = tpu.vector_load_idx %arg5[%broadcast_in_dim3A_143, %get3A_22] : memref<12x2048xf32, #tpu.memory_space<vmem>>[vector<16xi32>, vector<16xi32>], vector<16xf32>,
      %swap3A_145 = arith.constant 8 : i32
      %swap3A_146 = arith.index_cast %swap3A_145 : i32 to index
      %swap3A_147 = arith.index_cast %mul3A_21 : i32 to index
      %swap3A_148 = tpu.vector_load %arg7[%swap3A_146, %swap3A_147] {strides = array<i32>} : memref<24x1920xf32, #tpu.memory_space<vmem>>, vector<16xf32>,
      tpu.vector_store %arg7[%swap3A_146, %swap3A_147], %gather3A_144 {strides = array<i32>} : memref<24x1920xf32, #tpu.memory_space<vmem>>, vector<16xf32>,
      %gather3A_149 = tpu.vector_load_idx %arg5[%broadcast_in_dim3A_143, %select_n3A] : memref<12x2048xf32, #tpu.memory_space<vmem>>[vector<16xi32>, vector<16xi32>], vector<16xf32>,
      %swap3A_150 = arith.constant 20 : i32
      %swap3A_151 = arith.index_cast %swap3A_150 : i32 to index
      %swap3A_152 = arith.index_cast %mul3A_21 : i32 to index
      %swap3A_153 = tpu.vector_load %arg7[%swap3A_151, %swap3A_152] {strides = array<i32>} : memref<24x1920xf32, #tpu.memory_space<vmem>>, vector<16xf32>,
      tpu.vector_store %arg7[%swap3A_151, %swap3A_152], %gather3A_149 {strides = array<i32>} : memref<24x1920xf32, #tpu.memory_space<vmem>>, vector<16xf32>,
      %broadcast_in_dim3A_154 = arith.constant 9 : i32
      %broadcast_in_dim3A_155 = vector.broadcast %broadcast_in_dim3A_154 : i32 to vector<16xi32>
      %gather3A_156 = tpu.vector_load_idx %arg5[%broadcast_in_dim3A_155, %get3A_22] : memref<12x2048xf32, #tpu.memory_space<vmem>>[vector<16xi32>, vector<16xi32>], vector<16xf32>,
      %swap3A_157 = arith.constant 9 : i32
      %swap3A_158 = arith.index_cast %swap3A_157 : i32 to index
      %swap3A_159 = arith.index_cast %mul3A_21 : i32 to index
      %swap3A_160 = tpu.vector_load %arg7[%swap3A_158, %swap3A_159] {strides = array<i32>} : memref<24x1920xf32, #tpu.memory_space<vmem>>, vector<16xf32>,
      tpu.vector_store %arg7[%swap3A_158, %swap3A_159], %gather3A_156 {strides = array<i32>} : memref<24x1920xf32, #tpu.memory_space<vmem>>, vector<16xf32>,
      %gather3A_161 = tpu.vector_load_idx %arg5[%broadcast_in_dim3A_155, %select_n3A] : memref<12x2048xf32, #tpu.memory_space<vmem>>[vector<16xi32>, vector<16xi32>], vector<16xf32>,
      %swap3A_162 = arith.constant 21 : i32
      %swap3A_163 = arith.index_cast %swap3A_162 : i32 to index
      %swap3A_164 = arith.index_cast %mul3A_21 : i32 to index
      %swap3A_165 = tpu.vector_load %arg7[%swap3A_163, %swap3A_164] {strides = array<i32>} : memref<24x1920xf32, #tpu.memory_space<vmem>>, vector<16xf32>,
      tpu.vector_store %arg7[%swap3A_163, %swap3A_164], %gather3A_161 {strides = array<i32>} : memref<24x1920xf32, #tpu.memory_space<vmem>>, vector<16xf32>,
      %broadcast_in_dim3A_166 = arith.constant 10 : i32
      %broadcast_in_dim3A_167 = vector.broadcast %broadcast_in_dim3A_166 : i32 to vector<16xi32>
      %gather3A_168 = tpu.vector_load_idx %arg5[%broadcast_in_dim3A_167, %get3A_22] : memref<12x2048xf32, #tpu.memory_space<vmem>>[vector<16xi32>, vector<16xi32>], vector<16xf32>,
      %swap3A_169 = arith.constant 10 : i32
      %swap3A_170 = arith.index_cast %swap3A_169 : i32 to index
      %swap3A_171 = arith.index_cast %mul3A_21 : i32 to index
      %swap3A_172 = tpu.vector_load %arg7[%swap3A_170, %swap3A_171] {strides = array<i32>} : memref<24x1920xf32, #tpu.memory_space<vmem>>, vector<16xf32>,
      tpu.vector_store %arg7[%swap3A_170, %swap3A_171], %gather3A_168 {strides = array<i32>} : memref<24x1920xf32, #tpu.memory_space<vmem>>, vector<16xf32>,
      %gather3A_173 = tpu.vector_load_idx %arg5[%broadcast_in_dim3A_167, %select_n3A] : memref<12x2048xf32, #tpu.memory_space<vmem>>[vector<16xi32>, vector<16xi32>], vector<16xf32>,
      %swap3A_174 = arith.constant 22 : i32
      %swap3A_175 = arith.index_cast %swap3A_174 : i32 to index
      %swap3A_176 = arith.index_cast %mul3A_21 : i32 to index
      %swap3A_177 = tpu.vector_load %arg7[%swap3A_175, %swap3A_176] {strides = array<i32>} : memref<24x1920xf32, #tpu.memory_space<vmem>>, vector<16xf32>,
      tpu.vector_store %arg7[%swap3A_175, %swap3A_176], %gather3A_173 {strides = array<i32>} : memref<24x1920xf32, #tpu.memory_space<vmem>>, vector<16xf32>,
      %broadcast_in_dim3A_178 = arith.constant 11 : i32
      %broadcast_in_dim3A_179 = vector.broadcast %broadcast_in_dim3A_178 : i32 to vector<16xi32>
      %gather3A_180 = tpu.vector_load_idx %arg5[%broadcast_in_dim3A_179, %get3A_22] : memref<12x2048xf32, #tpu.memory_space<vmem>>[vector<16xi32>, vector<16xi32>], vector<16xf32>,
      %swap3A_181 = arith.constant 11 : i32
      %swap3A_182 = arith.index_cast %swap3A_181 : i32 to index
      %swap3A_183 = arith.index_cast %mul3A_21 : i32 to index
      %swap3A_184 = tpu.vector_load %arg7[%swap3A_182, %swap3A_183] {strides = array<i32>} : memref<24x1920xf32, #tpu.memory_space<vmem>>, vector<16xf32>,
      tpu.vector_store %arg7[%swap3A_182, %swap3A_183], %gather3A_180 {strides = array<i32>} : memref<24x1920xf32, #tpu.memory_space<vmem>>, vector<16xf32>,
      %gather3A_185 = tpu.vector_load_idx %arg5[%broadcast_in_dim3A_179, %select_n3A] : memref<12x2048xf32, #tpu.memory_space<vmem>>[vector<16xi32>, vector<16xi32>], vector<16xf32>,
      %swap3A_186 = arith.constant 23 : i32
      %swap3A_187 = arith.index_cast %swap3A_186 : i32 to index
      %swap3A_188 = arith.index_cast %mul3A_21 : i32 to index
      %swap3A_189 = tpu.vector_load %arg7[%swap3A_187, %swap3A_188] {strides = array<i32>} : memref<24x1920xf32, #tpu.memory_space<vmem>>, vector<16xf32>,
      tpu.vector_store %arg7[%swap3A_187, %swap3A_188], %gather3A_185 {strides = array<i32>} : memref<24x1920xf32, #tpu.memory_space<vmem>>, vector<16xf32>,
    }
    %scan3A_8 = arith.constant 120 : i32
    %run_scoped3A_9 = arith.constant 0 : i32
    "tpu.region"() ({
      %run_scoped3A_19 = tpu.sem_alloc : memref<!tpu.dma_semaphore, #tpu.memory_space<semaphore_mem>>
      %dma_start3A = arith.constant 0 : i32
      %dma_start3A_20 = tpu.memref_slice %arg4[%run_scoped3A_9, %dma_start3A, %mul3A_2] : memref<2x24x61440xf32, #tpu.memory_space<hbm>> -> memref<1x24x1920xf32, #tpu.memory_space<hbm>>
      %dma_start3A_21 = tpu.memref_squeeze %dma_start3A_20 : memref<1x24x1920xf32, #tpu.memory_space<hbm>> -> memref<24x1920xf32, #tpu.memory_space<hbm>>
      %dma_start3A_22 = arith.constant 0 : i32
      %dma_start3A_23 = tpu.memref_slice %arg4[%run_scoped3A_9, %dma_start3A_22, %mul3A_2] : memref<2x24x61440xf32, #tpu.memory_space<hbm>> -> memref<1x24x1920xf32, #tpu.memory_space<hbm>>
      %dma_start3A_24 = tpu.memref_squeeze %dma_start3A_23 : memref<1x24x1920xf32, #tpu.memory_space<hbm>> -> memref<24x1920xf32, #tpu.memory_space<hbm>>
      tpu.enqueue_dma source(%arg7 : memref<24x1920xf32, #tpu.memory_space<vmem>>) target(%dma_start3A_24 : memref<24x1920xf32, #tpu.memory_space<hbm>>) target_semaphore(%run_scoped3A_19 : memref<!tpu.dma_semaphore, #tpu.memory_space<semaphore_mem>>)
      %dma_wait3A = arith.constant 0 : i32
      %dma_wait3A_25 = tpu.memref_slice %arg4[%run_scoped3A_9, %dma_wait3A, %mul3A_2] : memref<2x24x61440xf32, #tpu.memory_space<hbm>> -> memref<1x24x1920xf32, #tpu.memory_space<hbm>>
      %dma_wait3A_26 = tpu.memref_squeeze %dma_wait3A_25 : memref<1x24x1920xf32, #tpu.memory_space<hbm>> -> memref<24x1920xf32, #tpu.memory_space<hbm>>
      %dma_wait3A_27 = arith.constant 0 : i32
      %dma_wait3A_28 = tpu.memref_slice %arg4[%run_scoped3A_9, %dma_wait3A_27, %mul3A_2] : memref<2x24x61440xf32, #tpu.memory_space<hbm>> -> memref<1x24x1920xf32, #tpu.memory_space<hbm>>
      %dma_wait3A_29 = tpu.memref_squeeze %dma_wait3A_28 : memref<1x24x1920xf32, #tpu.memory_space<hbm>> -> memref<24x1920xf32, #tpu.memory_space<hbm>>
      tpu.wait_dma2 semaphore(%run_scoped3A_19 : memref<!tpu.dma_semaphore, #tpu.memory_space<semaphore_mem>>) src(%arg7 : memref<24x1920xf32, #tpu.memory_space<vmem>>) dst(%dma_wait3A_29 : memref<24x1920xf32, #tpu.memory_space<hbm>>)
      tpu.yield
    }) : () -> ()
    %run_scoped3A_10 = arith.constant 1 : i32
    "tpu.region"() ({
      %run_scoped3A_19 = tpu.sem_alloc : memref<!tpu.dma_semaphore, #tpu.memory_space<semaphore_mem>>
      %dma_start3A = arith.constant 0 : i32
      %dma_start3A_20 = arith.constant 0 : i32
      %dma_start3A_21 = tpu.memref_slice %arg2[%run_scoped3A_10, %dma_start3A, %dma_start3A_20] : memref<2x12x2048xf32, #tpu.memory_space<hbm>> -> memref<1x12x2048xf32, #tpu.memory_space<hbm>>
      %dma_start3A_22 = tpu.memref_squeeze %dma_start3A_21 : memref<1x12x2048xf32, #tpu.memory_space<hbm>> -> memref<12x2048xf32, #tpu.memory_space<hbm>>
      %dma_start3A_23 = arith.constant 0 : i32
      %dma_start3A_24 = arith.constant 0 : i32
      %dma_start3A_25 = tpu.memref_slice %arg2[%run_scoped3A_10, %dma_start3A_23, %dma_start3A_24] : memref<2x12x2048xf32, #tpu.memory_space<hbm>> -> memref<1x12x2048xf32, #tpu.memory_space<hbm>>
      %dma_start3A_26 = tpu.memref_squeeze %dma_start3A_25 : memref<1x12x2048xf32, #tpu.memory_space<hbm>> -> memref<12x2048xf32, #tpu.memory_space<hbm>>
      tpu.enqueue_dma source(%dma_start3A_26 : memref<12x2048xf32, #tpu.memory_space<hbm>>) target(%arg5 : memref<12x2048xf32, #tpu.memory_space<vmem>>) target_semaphore(%run_scoped3A_19 : memref<!tpu.dma_semaphore, #tpu.memory_space<semaphore_mem>>)
      %dma_wait3A = arith.constant 0 : i32
      %dma_wait3A_27 = arith.constant 0 : i32
      %dma_wait3A_28 = tpu.memref_slice %arg2[%run_scoped3A_10, %dma_wait3A, %dma_wait3A_27] : memref<2x12x2048xf32, #tpu.memory_space<hbm>> -> memref<1x12x2048xf32, #tpu.memory_space<hbm>>
      %dma_wait3A_29 = tpu.memref_squeeze %dma_wait3A_28 : memref<1x12x2048xf32, #tpu.memory_space<hbm>> -> memref<12x2048xf32, #tpu.memory_space<hbm>>
      %dma_wait3A_30 = arith.constant 0 : i32
      %dma_wait3A_31 = arith.constant 0 : i32
      %dma_wait3A_32 = tpu.memref_slice %arg2[%run_scoped3A_10, %dma_wait3A_30, %dma_wait3A_31] : memref<2x12x2048xf32, #tpu.memory_space<hbm>> -> memref<1x12x2048xf32, #tpu.memory_space<hbm>>
      %dma_wait3A_33 = tpu.memref_squeeze %dma_wait3A_32 : memref<1x12x2048xf32, #tpu.memory_space<hbm>> -> memref<12x2048xf32, #tpu.memory_space<hbm>>
      tpu.wait_dma2 semaphore(%run_scoped3A_19 : memref<!tpu.dma_semaphore, #tpu.memory_space<semaphore_mem>>) src(%dma_wait3A_33 : memref<12x2048xf32, #tpu.memory_space<hbm>>) dst(%arg5 : memref<12x2048xf32, #tpu.memory_space<vmem>>)
      tpu.yield
    }) : () -> ()
    %run_scoped3A_11 = arith.constant 1 : i32
    "tpu.region"() ({
      %run_scoped3A_19 = tpu.sem_alloc : memref<!tpu.dma_semaphore, #tpu.memory_space<semaphore_mem>>
      %dma_start3A = tpu.memref_slice %arg3[%run_scoped3A_11, %mul3A_2] : memref<2x61440xi32, #tpu.memory_space<hbm>> -> memref<1x1920xi32, #tpu.memory_space<hbm>>
      %dma_start3A_20 = tpu.memref_squeeze %dma_start3A : memref<1x1920xi32, #tpu.memory_space<hbm>> -> memref<1920xi32, #tpu.memory_space<hbm>>
      %dma_start3A_21 = tpu.memref_slice %arg3[%run_scoped3A_11, %mul3A_2] : memref<2x61440xi32, #tpu.memory_space<hbm>> -> memref<1x1920xi32, #tpu.memory_space<hbm>>
      %dma_start3A_22 = tpu.memref_squeeze %dma_start3A_21 : memref<1x1920xi32, #tpu.memory_space<hbm>> -> memref<1920xi32, #tpu.memory_space<hbm>>
      tpu.enqueue_dma source(%dma_start3A_22 : memref<1920xi32, #tpu.memory_space<hbm>>) target(%arg6 : memref<1920xi32, #tpu.memory_space<vmem>>) target_semaphore(%run_scoped3A_19 : memref<!tpu.dma_semaphore, #tpu.memory_space<semaphore_mem>>)
      %dma_wait3A = tpu.memref_slice %arg3[%run_scoped3A_11, %mul3A_2] : memref<2x61440xi32, #tpu.memory_space<hbm>> -> memref<1x1920xi32, #tpu.memory_space<hbm>>
      %dma_wait3A_23 = tpu.memref_squeeze %dma_wait3A : memref<1x1920xi32, #tpu.memory_space<hbm>> -> memref<1920xi32, #tpu.memory_space<hbm>>
      %dma_wait3A_24 = tpu.memref_slice %arg3[%run_scoped3A_11, %mul3A_2] : memref<2x61440xi32, #tpu.memory_space<hbm>> -> memref<1x1920xi32, #tpu.memory_space<hbm>>
      %dma_wait3A_25 = tpu.memref_squeeze %dma_wait3A_24 : memref<1x1920xi32, #tpu.memory_space<hbm>> -> memref<1920xi32, #tpu.memory_space<hbm>>
      tpu.wait_dma2 semaphore(%run_scoped3A_19 : memref<!tpu.dma_semaphore, #tpu.memory_space<semaphore_mem>>) src(%dma_wait3A_25 : memref<1920xi32, #tpu.memory_space<hbm>>) dst(%arg6 : memref<1920xi32, #tpu.memory_space<vmem>>)
      tpu.yield
    }) : () -> ()
    %scan3A_12 = arith.constant 0 : i32
    %scan3A_13 = arith.constant 0 : i32
    %scan3A_14 = arith.constant 120 : i32
    %scan3A_15 = arith.addi %scan3A_13, %scan3A_14 : i32
    %scan3A_16 = arith.constant 1 : i32
    scf.for %scan3A_19 = %scan3A_13 to %scan3A_15 step %scan3A_16  : i32 {
      %mul3A_20 = arith.constant 16 : i32
      %mul3A_21 = arith.muli %scan3A_19, %mul3A_20 : i32
      %get3A = arith.index_cast %mul3A_21 : i32 to index
      %get3A_22 = tpu.vector_load %arg6[%get3A] {strides = array<i32>} : memref<1920xi32, #tpu.memory_space<vmem>>, vector<16xi32>,
      %add3A_23 = arith.addi %mul3A_2, %mul3A_21 : i32
      %iota3A = tpu.iota {dimensions = array<i32: 0>} : vector<16xi32>
      %add3A_24 = vector.broadcast %add3A_23 : i32 to vector<16xi32>
      %add3A_25 = arith.addi %add3A_24, %iota3A : vector<16xi32>
      %jit3A = arith.constant 30 : i32
      %div3A = vector.broadcast %jit3A : i32 to vector<16xi32>
      %div3A_26 = arith.divsi %add3A_25, %div3A : vector<16xi32>
      %sign3A = arith.constant 0 : i32
      %sign3A_27 = vector.broadcast %sign3A : i32 to vector<16xi32>
      %sign3A_28 = arith.cmpi sgt, %add3A_25, %sign3A_27 : vector<16xi32>
      %sign3A_29 = arith.extui %sign3A_28 : vector<16xi1> to vector<16xi32>
      %sign3A_30 = arith.constant 0 : i32
      %sign3A_31 = vector.broadcast %sign3A_30 : i32 to vector<16xi32>
      %sign3A_32 = arith.cmpi slt, %add3A_25, %sign3A_31 : vector<16xi32>
      %sign3A_33 = arith.extui %sign3A_32 : vector<16xi1> to vector<16xi32>
      %sign3A_34 = arith.subi %sign3A_29, %sign3A_33 : vector<16xi32>
      %sign3A_35 = arith.constant 0 : i32
      %sign3A_36 = arith.cmpi sgt, %jit3A, %sign3A_35 : i32
      %sign3A_37 = arith.extui %sign3A_36 : i1 to i32
      %sign3A_38 = arith.constant 0 : i32
      %sign3A_39 = arith.cmpi slt, %jit3A, %sign3A_38 : i32
      %sign3A_40 = arith.extui %sign3A_39 : i1 to i32
      %sign3A_41 = arith.subi %sign3A_37, %sign3A_40 : i32
      %ne3A = vector.broadcast %sign3A_41 : i32 to vector<16xi32>
      %ne3A_42 = arith.cmpi ne, %sign3A_34, %ne3A : vector<16xi32>
      %rem3A = vector.broadcast %jit3A : i32 to vector<16xi32>
      %rem3A_43 = arith.remsi %add3A_25, %rem3A : vector<16xi32>
      %ne3A_44 = arith.constant 0 : i32
      %ne3A_45 = vector.broadcast %ne3A_44 : i32 to vector<16xi32>
      %ne3A_46 = arith.cmpi ne, %rem3A_43, %ne3A_45 : vector<16xi32>
      %and3A = arith.andi %ne3A_42, %ne3A_46 : vector<16xi1>
      %sub3A = arith.constant 1 : i32
      %sub3A_47 = vector.broadcast %sub3A : i32 to vector<16xi32>
      %sub3A_48 = arith.subi %div3A_26, %sub3A_47 : vector<16xi32>
      %select_n3A = arith.select %and3A, %sub3A_48, %div3A_26 : vector<16xi1>, vector<16xi32>
      %broadcast_in_dim3A = arith.constant 0 : i32
      %broadcast_in_dim3A_49 = vector.broadcast %broadcast_in_dim3A : i32 to vector<16xi32>
      %gather3A = tpu.vector_load_idx %arg5[%broadcast_in_dim3A_49, %get3A_22] : memref<12x2048xf32, #tpu.memory_space<vmem>>[vector<16xi32>, vector<16xi32>], vector<16xf32>,
      %swap3A = arith.constant 0 : i32
      %swap3A_50 = arith.index_cast %swap3A : i32 to index
      %swap3A_51 = arith.index_cast %mul3A_21 : i32 to index
      %swap3A_52 = tpu.vector_load %arg7[%swap3A_50, %swap3A_51] {strides = array<i32>} : memref<24x1920xf32, #tpu.memory_space<vmem>>, vector<16xf32>,
      tpu.vector_store %arg7[%swap3A_50, %swap3A_51], %gather3A {strides = array<i32>} : memref<24x1920xf32, #tpu.memory_space<vmem>>, vector<16xf32>,
      %gather3A_53 = tpu.vector_load_idx %arg5[%broadcast_in_dim3A_49, %select_n3A] : memref<12x2048xf32, #tpu.memory_space<vmem>>[vector<16xi32>, vector<16xi32>], vector<16xf32>,
      %swap3A_54 = arith.constant 12 : i32
      %swap3A_55 = arith.index_cast %swap3A_54 : i32 to index
      %swap3A_56 = arith.index_cast %mul3A_21 : i32 to index
      %swap3A_57 = tpu.vector_load %arg7[%swap3A_55, %swap3A_56] {strides = array<i32>} : memref<24x1920xf32, #tpu.memory_space<vmem>>, vector<16xf32>,
      tpu.vector_store %arg7[%swap3A_55, %swap3A_56], %gather3A_53 {strides = array<i32>} : memref<24x1920xf32, #tpu.memory_space<vmem>>, vector<16xf32>,
      %broadcast_in_dim3A_58 = arith.constant 1 : i32
      %broadcast_in_dim3A_59 = vector.broadcast %broadcast_in_dim3A_58 : i32 to vector<16xi32>
      %gather3A_60 = tpu.vector_load_idx %arg5[%broadcast_in_dim3A_59, %get3A_22] : memref<12x2048xf32, #tpu.memory_space<vmem>>[vector<16xi32>, vector<16xi32>], vector<16xf32>,
      %swap3A_61 = arith.constant 1 : i32
      %swap3A_62 = arith.index_cast %swap3A_61 : i32 to index
      %swap3A_63 = arith.index_cast %mul3A_21 : i32 to index
      %swap3A_64 = tpu.vector_load %arg7[%swap3A_62, %swap3A_63] {strides = array<i32>} : memref<24x1920xf32, #tpu.memory_space<vmem>>, vector<16xf32>,
      tpu.vector_store %arg7[%swap3A_62, %swap3A_63], %gather3A_60 {strides = array<i32>} : memref<24x1920xf32, #tpu.memory_space<vmem>>, vector<16xf32>,
      %gather3A_65 = tpu.vector_load_idx %arg5[%broadcast_in_dim3A_59, %select_n3A] : memref<12x2048xf32, #tpu.memory_space<vmem>>[vector<16xi32>, vector<16xi32>], vector<16xf32>,
      %swap3A_66 = arith.constant 13 : i32
      %swap3A_67 = arith.index_cast %swap3A_66 : i32 to index
      %swap3A_68 = arith.index_cast %mul3A_21 : i32 to index
      %swap3A_69 = tpu.vector_load %arg7[%swap3A_67, %swap3A_68] {strides = array<i32>} : memref<24x1920xf32, #tpu.memory_space<vmem>>, vector<16xf32>,
      tpu.vector_store %arg7[%swap3A_67, %swap3A_68], %gather3A_65 {strides = array<i32>} : memref<24x1920xf32, #tpu.memory_space<vmem>>, vector<16xf32>,
      %broadcast_in_dim3A_70 = arith.constant 2 : i32
      %broadcast_in_dim3A_71 = vector.broadcast %broadcast_in_dim3A_70 : i32 to vector<16xi32>
      %gather3A_72 = tpu.vector_load_idx %arg5[%broadcast_in_dim3A_71, %get3A_22] : memref<12x2048xf32, #tpu.memory_space<vmem>>[vector<16xi32>, vector<16xi32>], vector<16xf32>,
      %swap3A_73 = arith.constant 2 : i32
      %swap3A_74 = arith.index_cast %swap3A_73 : i32 to index
      %swap3A_75 = arith.index_cast %mul3A_21 : i32 to index
      %swap3A_76 = tpu.vector_load %arg7[%swap3A_74, %swap3A_75] {strides = array<i32>} : memref<24x1920xf32, #tpu.memory_space<vmem>>, vector<16xf32>,
      tpu.vector_store %arg7[%swap3A_74, %swap3A_75], %gather3A_72 {strides = array<i32>} : memref<24x1920xf32, #tpu.memory_space<vmem>>, vector<16xf32>,
      %gather3A_77 = tpu.vector_load_idx %arg5[%broadcast_in_dim3A_71, %select_n3A] : memref<12x2048xf32, #tpu.memory_space<vmem>>[vector<16xi32>, vector<16xi32>], vector<16xf32>,
      %swap3A_78 = arith.constant 14 : i32
      %swap3A_79 = arith.index_cast %swap3A_78 : i32 to index
      %swap3A_80 = arith.index_cast %mul3A_21 : i32 to index
      %swap3A_81 = tpu.vector_load %arg7[%swap3A_79, %swap3A_80] {strides = array<i32>} : memref<24x1920xf32, #tpu.memory_space<vmem>>, vector<16xf32>,
      tpu.vector_store %arg7[%swap3A_79, %swap3A_80], %gather3A_77 {strides = array<i32>} : memref<24x1920xf32, #tpu.memory_space<vmem>>, vector<16xf32>,
      %broadcast_in_dim3A_82 = arith.constant 3 : i32
      %broadcast_in_dim3A_83 = vector.broadcast %broadcast_in_dim3A_82 : i32 to vector<16xi32>
      %gather3A_84 = tpu.vector_load_idx %arg5[%broadcast_in_dim3A_83, %get3A_22] : memref<12x2048xf32, #tpu.memory_space<vmem>>[vector<16xi32>, vector<16xi32>], vector<16xf32>,
      %swap3A_85 = arith.constant 3 : i32
      %swap3A_86 = arith.index_cast %swap3A_85 : i32 to index
      %swap3A_87 = arith.index_cast %mul3A_21 : i32 to index
      %swap3A_88 = tpu.vector_load %arg7[%swap3A_86, %swap3A_87] {strides = array<i32>} : memref<24x1920xf32, #tpu.memory_space<vmem>>, vector<16xf32>,
      tpu.vector_store %arg7[%swap3A_86, %swap3A_87], %gather3A_84 {strides = array<i32>} : memref<24x1920xf32, #tpu.memory_space<vmem>>, vector<16xf32>,
      %gather3A_89 = tpu.vector_load_idx %arg5[%broadcast_in_dim3A_83, %select_n3A] : memref<12x2048xf32, #tpu.memory_space<vmem>>[vector<16xi32>, vector<16xi32>], vector<16xf32>,
      %swap3A_90 = arith.constant 15 : i32
      %swap3A_91 = arith.index_cast %swap3A_90 : i32 to index
      %swap3A_92 = arith.index_cast %mul3A_21 : i32 to index
      %swap3A_93 = tpu.vector_load %arg7[%swap3A_91, %swap3A_92] {strides = array<i32>} : memref<24x1920xf32, #tpu.memory_space<vmem>>, vector<16xf32>,
      tpu.vector_store %arg7[%swap3A_91, %swap3A_92], %gather3A_89 {strides = array<i32>} : memref<24x1920xf32, #tpu.memory_space<vmem>>, vector<16xf32>,
      %broadcast_in_dim3A_94 = arith.constant 4 : i32
      %broadcast_in_dim3A_95 = vector.broadcast %broadcast_in_dim3A_94 : i32 to vector<16xi32>
      %gather3A_96 = tpu.vector_load_idx %arg5[%broadcast_in_dim3A_95, %get3A_22] : memref<12x2048xf32, #tpu.memory_space<vmem>>[vector<16xi32>, vector<16xi32>], vector<16xf32>,
      %swap3A_97 = arith.constant 4 : i32
      %swap3A_98 = arith.index_cast %swap3A_97 : i32 to index
      %swap3A_99 = arith.index_cast %mul3A_21 : i32 to index
      %swap3A_100 = tpu.vector_load %arg7[%swap3A_98, %swap3A_99] {strides = array<i32>} : memref<24x1920xf32, #tpu.memory_space<vmem>>, vector<16xf32>,
      tpu.vector_store %arg7[%swap3A_98, %swap3A_99], %gather3A_96 {strides = array<i32>} : memref<24x1920xf32, #tpu.memory_space<vmem>>, vector<16xf32>,
      %gather3A_101 = tpu.vector_load_idx %arg5[%broadcast_in_dim3A_95, %select_n3A] : memref<12x2048xf32, #tpu.memory_space<vmem>>[vector<16xi32>, vector<16xi32>], vector<16xf32>,
      %swap3A_102 = arith.constant 16 : i32
      %swap3A_103 = arith.index_cast %swap3A_102 : i32 to index
      %swap3A_104 = arith.index_cast %mul3A_21 : i32 to index
      %swap3A_105 = tpu.vector_load %arg7[%swap3A_103, %swap3A_104] {strides = array<i32>} : memref<24x1920xf32, #tpu.memory_space<vmem>>, vector<16xf32>,
      tpu.vector_store %arg7[%swap3A_103, %swap3A_104], %gather3A_101 {strides = array<i32>} : memref<24x1920xf32, #tpu.memory_space<vmem>>, vector<16xf32>,
      %broadcast_in_dim3A_106 = arith.constant 5 : i32
      %broadcast_in_dim3A_107 = vector.broadcast %broadcast_in_dim3A_106 : i32 to vector<16xi32>
      %gather3A_108 = tpu.vector_load_idx %arg5[%broadcast_in_dim3A_107, %get3A_22] : memref<12x2048xf32, #tpu.memory_space<vmem>>[vector<16xi32>, vector<16xi32>], vector<16xf32>,
      %swap3A_109 = arith.constant 5 : i32
      %swap3A_110 = arith.index_cast %swap3A_109 : i32 to index
      %swap3A_111 = arith.index_cast %mul3A_21 : i32 to index
      %swap3A_112 = tpu.vector_load %arg7[%swap3A_110, %swap3A_111] {strides = array<i32>} : memref<24x1920xf32, #tpu.memory_space<vmem>>, vector<16xf32>,
      tpu.vector_store %arg7[%swap3A_110, %swap3A_111], %gather3A_108 {strides = array<i32>} : memref<24x1920xf32, #tpu.memory_space<vmem>>, vector<16xf32>,
      %gather3A_113 = tpu.vector_load_idx %arg5[%broadcast_in_dim3A_107, %select_n3A] : memref<12x2048xf32, #tpu.memory_space<vmem>>[vector<16xi32>, vector<16xi32>], vector<16xf32>,
      %swap3A_114 = arith.constant 17 : i32
      %swap3A_115 = arith.index_cast %swap3A_114 : i32 to index
      %swap3A_116 = arith.index_cast %mul3A_21 : i32 to index
      %swap3A_117 = tpu.vector_load %arg7[%swap3A_115, %swap3A_116] {strides = array<i32>} : memref<24x1920xf32, #tpu.memory_space<vmem>>, vector<16xf32>,
      tpu.vector_store %arg7[%swap3A_115, %swap3A_116], %gather3A_113 {strides = array<i32>} : memref<24x1920xf32, #tpu.memory_space<vmem>>, vector<16xf32>,
      %broadcast_in_dim3A_118 = arith.constant 6 : i32
      %broadcast_in_dim3A_119 = vector.broadcast %broadcast_in_dim3A_118 : i32 to vector<16xi32>
      %gather3A_120 = tpu.vector_load_idx %arg5[%broadcast_in_dim3A_119, %get3A_22] : memref<12x2048xf32, #tpu.memory_space<vmem>>[vector<16xi32>, vector<16xi32>], vector<16xf32>,
      %swap3A_121 = arith.constant 6 : i32
      %swap3A_122 = arith.index_cast %swap3A_121 : i32 to index
      %swap3A_123 = arith.index_cast %mul3A_21 : i32 to index
      %swap3A_124 = tpu.vector_load %arg7[%swap3A_122, %swap3A_123] {strides = array<i32>} : memref<24x1920xf32, #tpu.memory_space<vmem>>, vector<16xf32>,
      tpu.vector_store %arg7[%swap3A_122, %swap3A_123], %gather3A_120 {strides = array<i32>} : memref<24x1920xf32, #tpu.memory_space<vmem>>, vector<16xf32>,
      %gather3A_125 = tpu.vector_load_idx %arg5[%broadcast_in_dim3A_119, %select_n3A] : memref<12x2048xf32, #tpu.memory_space<vmem>>[vector<16xi32>, vector<16xi32>], vector<16xf32>,
      %swap3A_126 = arith.constant 18 : i32
      %swap3A_127 = arith.index_cast %swap3A_126 : i32 to index
      %swap3A_128 = arith.index_cast %mul3A_21 : i32 to index
      %swap3A_129 = tpu.vector_load %arg7[%swap3A_127, %swap3A_128] {strides = array<i32>} : memref<24x1920xf32, #tpu.memory_space<vmem>>, vector<16xf32>,
      tpu.vector_store %arg7[%swap3A_127, %swap3A_128], %gather3A_125 {strides = array<i32>} : memref<24x1920xf32, #tpu.memory_space<vmem>>, vector<16xf32>,
      %broadcast_in_dim3A_130 = arith.constant 7 : i32
      %broadcast_in_dim3A_131 = vector.broadcast %broadcast_in_dim3A_130 : i32 to vector<16xi32>
      %gather3A_132 = tpu.vector_load_idx %arg5[%broadcast_in_dim3A_131, %get3A_22] : memref<12x2048xf32, #tpu.memory_space<vmem>>[vector<16xi32>, vector<16xi32>], vector<16xf32>,
      %swap3A_133 = arith.constant 7 : i32
      %swap3A_134 = arith.index_cast %swap3A_133 : i32 to index
      %swap3A_135 = arith.index_cast %mul3A_21 : i32 to index
      %swap3A_136 = tpu.vector_load %arg7[%swap3A_134, %swap3A_135] {strides = array<i32>} : memref<24x1920xf32, #tpu.memory_space<vmem>>, vector<16xf32>,
      tpu.vector_store %arg7[%swap3A_134, %swap3A_135], %gather3A_132 {strides = array<i32>} : memref<24x1920xf32, #tpu.memory_space<vmem>>, vector<16xf32>,
      %gather3A_137 = tpu.vector_load_idx %arg5[%broadcast_in_dim3A_131, %select_n3A] : memref<12x2048xf32, #tpu.memory_space<vmem>>[vector<16xi32>, vector<16xi32>], vector<16xf32>,
      %swap3A_138 = arith.constant 19 : i32
      %swap3A_139 = arith.index_cast %swap3A_138 : i32 to index
      %swap3A_140 = arith.index_cast %mul3A_21 : i32 to index
      %swap3A_141 = tpu.vector_load %arg7[%swap3A_139, %swap3A_140] {strides = array<i32>} : memref<24x1920xf32, #tpu.memory_space<vmem>>, vector<16xf32>,
      tpu.vector_store %arg7[%swap3A_139, %swap3A_140], %gather3A_137 {strides = array<i32>} : memref<24x1920xf32, #tpu.memory_space<vmem>>, vector<16xf32>,
      %broadcast_in_dim3A_142 = arith.constant 8 : i32
      %broadcast_in_dim3A_143 = vector.broadcast %broadcast_in_dim3A_142 : i32 to vector<16xi32>
      %gather3A_144 = tpu.vector_load_idx %arg5[%broadcast_in_dim3A_143, %get3A_22] : memref<12x2048xf32, #tpu.memory_space<vmem>>[vector<16xi32>, vector<16xi32>], vector<16xf32>,
      %swap3A_145 = arith.constant 8 : i32
      %swap3A_146 = arith.index_cast %swap3A_145 : i32 to index
      %swap3A_147 = arith.index_cast %mul3A_21 : i32 to index
      %swap3A_148 = tpu.vector_load %arg7[%swap3A_146, %swap3A_147] {strides = array<i32>} : memref<24x1920xf32, #tpu.memory_space<vmem>>, vector<16xf32>,
      tpu.vector_store %arg7[%swap3A_146, %swap3A_147], %gather3A_144 {strides = array<i32>} : memref<24x1920xf32, #tpu.memory_space<vmem>>, vector<16xf32>,
      %gather3A_149 = tpu.vector_load_idx %arg5[%broadcast_in_dim3A_143, %select_n3A] : memref<12x2048xf32, #tpu.memory_space<vmem>>[vector<16xi32>, vector<16xi32>], vector<16xf32>,
      %swap3A_150 = arith.constant 20 : i32
      %swap3A_151 = arith.index_cast %swap3A_150 : i32 to index
      %swap3A_152 = arith.index_cast %mul3A_21 : i32 to index
      %swap3A_153 = tpu.vector_load %arg7[%swap3A_151, %swap3A_152] {strides = array<i32>} : memref<24x1920xf32, #tpu.memory_space<vmem>>, vector<16xf32>,
      tpu.vector_store %arg7[%swap3A_151, %swap3A_152], %gather3A_149 {strides = array<i32>} : memref<24x1920xf32, #tpu.memory_space<vmem>>, vector<16xf32>,
      %broadcast_in_dim3A_154 = arith.constant 9 : i32
      %broadcast_in_dim3A_155 = vector.broadcast %broadcast_in_dim3A_154 : i32 to vector<16xi32>
      %gather3A_156 = tpu.vector_load_idx %arg5[%broadcast_in_dim3A_155, %get3A_22] : memref<12x2048xf32, #tpu.memory_space<vmem>>[vector<16xi32>, vector<16xi32>], vector<16xf32>,
      %swap3A_157 = arith.constant 9 : i32
      %swap3A_158 = arith.index_cast %swap3A_157 : i32 to index
      %swap3A_159 = arith.index_cast %mul3A_21 : i32 to index
      %swap3A_160 = tpu.vector_load %arg7[%swap3A_158, %swap3A_159] {strides = array<i32>} : memref<24x1920xf32, #tpu.memory_space<vmem>>, vector<16xf32>,
      tpu.vector_store %arg7[%swap3A_158, %swap3A_159], %gather3A_156 {strides = array<i32>} : memref<24x1920xf32, #tpu.memory_space<vmem>>, vector<16xf32>,
      %gather3A_161 = tpu.vector_load_idx %arg5[%broadcast_in_dim3A_155, %select_n3A] : memref<12x2048xf32, #tpu.memory_space<vmem>>[vector<16xi32>, vector<16xi32>], vector<16xf32>,
      %swap3A_162 = arith.constant 21 : i32
      %swap3A_163 = arith.index_cast %swap3A_162 : i32 to index
      %swap3A_164 = arith.index_cast %mul3A_21 : i32 to index
      %swap3A_165 = tpu.vector_load %arg7[%swap3A_163, %swap3A_164] {strides = array<i32>} : memref<24x1920xf32, #tpu.memory_space<vmem>>, vector<16xf32>,
      tpu.vector_store %arg7[%swap3A_163, %swap3A_164], %gather3A_161 {strides = array<i32>} : memref<24x1920xf32, #tpu.memory_space<vmem>>, vector<16xf32>,
      %broadcast_in_dim3A_166 = arith.constant 10 : i32
      %broadcast_in_dim3A_167 = vector.broadcast %broadcast_in_dim3A_166 : i32 to vector<16xi32>
      %gather3A_168 = tpu.vector_load_idx %arg5[%broadcast_in_dim3A_167, %get3A_22] : memref<12x2048xf32, #tpu.memory_space<vmem>>[vector<16xi32>, vector<16xi32>], vector<16xf32>,
      %swap3A_169 = arith.constant 10 : i32
      %swap3A_170 = arith.index_cast %swap3A_169 : i32 to index
      %swap3A_171 = arith.index_cast %mul3A_21 : i32 to index
      %swap3A_172 = tpu.vector_load %arg7[%swap3A_170, %swap3A_171] {strides = array<i32>} : memref<24x1920xf32, #tpu.memory_space<vmem>>, vector<16xf32>,
      tpu.vector_store %arg7[%swap3A_170, %swap3A_171], %gather3A_168 {strides = array<i32>} : memref<24x1920xf32, #tpu.memory_space<vmem>>, vector<16xf32>,
      %gather3A_173 = tpu.vector_load_idx %arg5[%broadcast_in_dim3A_167, %select_n3A] : memref<12x2048xf32, #tpu.memory_space<vmem>>[vector<16xi32>, vector<16xi32>], vector<16xf32>,
      %swap3A_174 = arith.constant 22 : i32
      %swap3A_175 = arith.index_cast %swap3A_174 : i32 to index
      %swap3A_176 = arith.index_cast %mul3A_21 : i32 to index
      %swap3A_177 = tpu.vector_load %arg7[%swap3A_175, %swap3A_176] {strides = array<i32>} : memref<24x1920xf32, #tpu.memory_space<vmem>>, vector<16xf32>,
      tpu.vector_store %arg7[%swap3A_175, %swap3A_176], %gather3A_173 {strides = array<i32>} : memref<24x1920xf32, #tpu.memory_space<vmem>>, vector<16xf32>,
      %broadcast_in_dim3A_178 = arith.constant 11 : i32
      %broadcast_in_dim3A_179 = vector.broadcast %broadcast_in_dim3A_178 : i32 to vector<16xi32>
      %gather3A_180 = tpu.vector_load_idx %arg5[%broadcast_in_dim3A_179, %get3A_22] : memref<12x2048xf32, #tpu.memory_space<vmem>>[vector<16xi32>, vector<16xi32>], vector<16xf32>,
      %swap3A_181 = arith.constant 11 : i32
      %swap3A_182 = arith.index_cast %swap3A_181 : i32 to index
      %swap3A_183 = arith.index_cast %mul3A_21 : i32 to index
      %swap3A_184 = tpu.vector_load %arg7[%swap3A_182, %swap3A_183] {strides = array<i32>} : memref<24x1920xf32, #tpu.memory_space<vmem>>, vector<16xf32>,
      tpu.vector_store %arg7[%swap3A_182, %swap3A_183], %gather3A_180 {strides = array<i32>} : memref<24x1920xf32, #tpu.memory_space<vmem>>, vector<16xf32>,
      %gather3A_185 = tpu.vector_load_idx %arg5[%broadcast_in_dim3A_179, %select_n3A] : memref<12x2048xf32, #tpu.memory_space<vmem>>[vector<16xi32>, vector<16xi32>], vector<16xf32>,
      %swap3A_186 = arith.constant 23 : i32
      %swap3A_187 = arith.index_cast %swap3A_186 : i32 to index
      %swap3A_188 = arith.index_cast %mul3A_21 : i32 to index
      %swap3A_189 = tpu.vector_load %arg7[%swap3A_187, %swap3A_188] {strides = array<i32>} : memref<24x1920xf32, #tpu.memory_space<vmem>>, vector<16xf32>,
      tpu.vector_store %arg7[%swap3A_187, %swap3A_188], %gather3A_185 {strides = array<i32>} : memref<24x1920xf32, #tpu.memory_space<vmem>>, vector<16xf32>,
    }
    %scan3A_17 = arith.constant 120 : i32
    %run_scoped3A_18 = arith.constant 1 : i32
    "tpu.region"() ({
      %run_scoped3A_19 = tpu.sem_alloc : memref<!tpu.dma_semaphore, #tpu.memory_space<semaphore_mem>>
      %dma_start3A = arith.constant 0 : i32
      %dma_start3A_20 = tpu.memref_slice %arg4[%run_scoped3A_18, %dma_start3A, %mul3A_2] : memref<2x24x61440xf32, #tpu.memory_space<hbm>> -> memref<1x24x1920xf32, #tpu.memory_space<hbm>>
      %dma_start3A_21 = tpu.memref_squeeze %dma_start3A_20 : memref<1x24x1920xf32, #tpu.memory_space<hbm>> -> memref<24x1920xf32, #tpu.memory_space<hbm>>
      %dma_start3A_22 = arith.constant 0 : i32
      %dma_start3A_23 = tpu.memref_slice %arg4[%run_scoped3A_18, %dma_start3A_22, %mul3A_2] : memref<2x24x61440xf32, #tpu.memory_space<hbm>> -> memref<1x24x1920xf32, #tpu.memory_space<hbm>>
      %dma_start3A_24 = tpu.memref_squeeze %dma_start3A_23 : memref<1x24x1920xf32, #tpu.memory_space<hbm>> -> memref<24x1920xf32, #tpu.memory_space<hbm>>
      tpu.enqueue_dma source(%arg7 : memref<24x1920xf32, #tpu.memory_space<vmem>>) target(%dma_start3A_24 : memref<24x1920xf32, #tpu.memory_space<hbm>>) target_semaphore(%run_scoped3A_19 : memref<!tpu.dma_semaphore, #tpu.memory_space<semaphore_mem>>)
      %dma_wait3A = arith.constant 0 : i32
      %dma_wait3A_25 = tpu.memref_slice %arg4[%run_scoped3A_18, %dma_wait3A, %mul3A_2] : memref<2x24x61440xf32, #tpu.memory_space<hbm>> -> memref<1x24x1920xf32, #tpu.memory_space<hbm>>
      %dma_wait3A_26 = tpu.memref_squeeze %dma_wait3A_25 : memref<1x24x1920xf32, #tpu.memory_space<hbm>> -> memref<24x1920xf32, #tpu.memory_space<hbm>>
      %dma_wait3A_27 = arith.constant 0 : i32
      %dma_wait3A_28 = tpu.memref_slice %arg4[%run_scoped3A_18, %dma_wait3A_27, %mul3A_2] : memref<2x24x61440xf32, #tpu.memory_space<hbm>> -> memref<1x24x1920xf32, #tpu.memory_space<hbm>>
      %dma_wait3A_29 = tpu.memref_squeeze %dma_wait3A_28 : memref<1x24x1920xf32, #tpu.memory_space<hbm>> -> memref<24x1920xf32, #tpu.memory_space<hbm>>
      tpu.wait_dma2 semaphore(%run_scoped3A_19 : memref<!tpu.dma_semaphore, #tpu.memory_space<semaphore_mem>>) src(%arg7 : memref<24x1920xf32, #tpu.memory_space<vmem>>) dst(%dma_wait3A_29 : memref<24x1920xf32, #tpu.memory_space<hbm>>)
      tpu.yield
    }) : () -> ()
    return
  }
}

module attributes {stable_mosaic.version = 14 : i64} {
  func.func @_frames_body(%arg0: i32, %arg1: memref<1x3x2048xf32, #tpu.memory_space<vmem>>, %arg2: memref<1x9x2048xf32, #tpu.memory_space<vmem>>) attributes {dimension_semantics = [#tpu.dimension_semantics<arbitrary>], iteration_bounds = array<i64: 2>, scalar_prefetch = 0 : i64, scratch_operands = 0 : i64, tpu.core_type = #tpu.core_type<tc>, window_params = [{transform_indices = @transform_0, window_bounds = array<i64: 1, 3, 2048>}, {transform_indices = @transform_1, window_bounds = array<i64: 1, 9, 2048>}]} {
    %get3A = arith.constant 0 : index
    %get3A_0 = arith.constant 0 : index
    %get3A_1 = arith.constant 0 : index
    %get3A_2 = vector.load %arg1[%get3A, %get3A_0, %get3A_1] : memref<1x3x2048xf32, #tpu.memory_space<vmem>>, vector<1x3x2048xf32>
    %get3A_3 = vector.shape_cast %get3A_2 : vector<1x3x2048xf32> to vector<3x2048xf32>
    %roll3A = arith.constant 2047 : i32
    %roll3A_4 = tpu.dynamic_rotate %get3A_3 by %roll3A dim 1 : vector<3x2048xf32>, i32 -> vector<3x2048xf32>
    %sub3A = arith.subf %roll3A_4, %get3A_3 : vector<3x2048xf32>
    %slice3A = vector.extract_strided_slice %sub3A {offsets = [0, 0], sizes = [1, 2048], strides = [1, 1]} : vector<3x2048xf32> to vector<1x2048xf32>
    %slice3A_5 = vector.extract_strided_slice %sub3A {offsets = [1, 0], sizes = [1, 2048], strides = [1, 1]} : vector<3x2048xf32> to vector<1x2048xf32>
    %slice3A_6 = vector.extract_strided_slice %sub3A {offsets = [2, 0], sizes = [1, 2048], strides = [1, 1]} : vector<3x2048xf32> to vector<1x2048xf32>
    %mul3A = arith.mulf %slice3A, %slice3A : vector<1x2048xf32>
    %mul3A_7 = arith.mulf %slice3A_5, %slice3A_5 : vector<1x2048xf32>
    %add3A = arith.addf %mul3A, %mul3A_7 : vector<1x2048xf32>
    %mul3A_8 = arith.mulf %slice3A_6, %slice3A_6 : vector<1x2048xf32>
    %add3A_9 = arith.addf %add3A, %mul3A_8 : vector<1x2048xf32>
    %sqrt3A = math.sqrt %add3A_9 : vector<1x2048xf32>
    %max3A = arith.constant 9.99999996E-13 : f32
    %max3A_10 = vector.broadcast %max3A : f32 to vector<1x2048xf32>
    %max3A_11 = arith.maximumf %sqrt3A, %max3A_10 : vector<1x2048xf32>
    %div3A = arith.divf %slice3A, %max3A_11 : vector<1x2048xf32>
    %div3A_12 = arith.divf %slice3A_5, %max3A_11 : vector<1x2048xf32>
    %div3A_13 = arith.divf %slice3A_6, %max3A_11 : vector<1x2048xf32>
    %roll3A_14 = arith.constant 1 : i32
    %roll3A_15 = tpu.dynamic_rotate %div3A by %roll3A_14 dim 1 : vector<1x2048xf32>, i32 -> vector<1x2048xf32>
    %roll3A_16 = arith.constant 1 : i32
    %roll3A_17 = tpu.dynamic_rotate %div3A_12 by %roll3A_16 dim 1 : vector<1x2048xf32>, i32 -> vector<1x2048xf32>
    %roll3A_18 = arith.constant 1 : i32
    %roll3A_19 = tpu.dynamic_rotate %div3A_13 by %roll3A_18 dim 1 : vector<1x2048xf32>, i32 -> vector<1x2048xf32>
    %mul3A_20 = arith.mulf %roll3A_17, %div3A_13 : vector<1x2048xf32>
    %mul3A_21 = arith.mulf %roll3A_19, %div3A_12 : vector<1x2048xf32>
    %sub3A_22 = arith.subf %mul3A_20, %mul3A_21 : vector<1x2048xf32>
    %mul3A_23 = arith.mulf %roll3A_19, %div3A : vector<1x2048xf32>
    %mul3A_24 = arith.mulf %roll3A_15, %div3A_13 : vector<1x2048xf32>
    %sub3A_25 = arith.subf %mul3A_23, %mul3A_24 : vector<1x2048xf32>
    %mul3A_26 = arith.mulf %roll3A_15, %div3A_12 : vector<1x2048xf32>
    %mul3A_27 = arith.mulf %roll3A_17, %div3A : vector<1x2048xf32>
    %sub3A_28 = arith.subf %mul3A_26, %mul3A_27 : vector<1x2048xf32>
    %mul3A_29 = arith.mulf %sub3A_22, %sub3A_22 : vector<1x2048xf32>
    %mul3A_30 = arith.mulf %sub3A_25, %sub3A_25 : vector<1x2048xf32>
    %add3A_31 = arith.addf %mul3A_29, %mul3A_30 : vector<1x2048xf32>
    %mul3A_32 = arith.mulf %sub3A_28, %sub3A_28 : vector<1x2048xf32>
    %add3A_33 = arith.addf %add3A_31, %mul3A_32 : vector<1x2048xf32>
    %sqrt3A_34 = math.sqrt %add3A_33 : vector<1x2048xf32>
    %max3A_35 = arith.constant 9.99999996E-13 : f32
    %max3A_36 = vector.broadcast %max3A_35 : f32 to vector<1x2048xf32>
    %max3A_37 = arith.maximumf %sqrt3A_34, %max3A_36 : vector<1x2048xf32>
    %div3A_38 = arith.divf %sub3A_22, %max3A_37 : vector<1x2048xf32>
    %div3A_39 = arith.divf %sub3A_25, %max3A_37 : vector<1x2048xf32>
    %div3A_40 = arith.divf %sub3A_28, %max3A_37 : vector<1x2048xf32>
    %sub3A_41 = arith.subf %roll3A_15, %div3A : vector<1x2048xf32>
    %sub3A_42 = arith.subf %roll3A_17, %div3A_12 : vector<1x2048xf32>
    %sub3A_43 = arith.subf %roll3A_19, %div3A_13 : vector<1x2048xf32>
    %mul3A_44 = arith.mulf %sub3A_41, %sub3A_41 : vector<1x2048xf32>
    %mul3A_45 = arith.mulf %sub3A_42, %sub3A_42 : vector<1x2048xf32>
    %add3A_46 = arith.addf %mul3A_44, %mul3A_45 : vector<1x2048xf32>
    %mul3A_47 = arith.mulf %sub3A_43, %sub3A_43 : vector<1x2048xf32>
    %add3A_48 = arith.addf %add3A_46, %mul3A_47 : vector<1x2048xf32>
    %sqrt3A_49 = math.sqrt %add3A_48 : vector<1x2048xf32>
    %max3A_50 = arith.constant 9.99999996E-13 : f32
    %max3A_51 = vector.broadcast %max3A_50 : f32 to vector<1x2048xf32>
    %max3A_52 = arith.maximumf %sqrt3A_49, %max3A_51 : vector<1x2048xf32>
    %div3A_53 = arith.divf %sub3A_41, %max3A_52 : vector<1x2048xf32>
    %div3A_54 = arith.divf %sub3A_42, %max3A_52 : vector<1x2048xf32>
    %div3A_55 = arith.divf %sub3A_43, %max3A_52 : vector<1x2048xf32>
    %mul3A_56 = arith.mulf %div3A_54, %div3A_40 : vector<1x2048xf32>
    %mul3A_57 = arith.mulf %div3A_55, %div3A_39 : vector<1x2048xf32>
    %sub3A_58 = arith.subf %mul3A_56, %mul3A_57 : vector<1x2048xf32>
    %mul3A_59 = arith.mulf %div3A_55, %div3A_38 : vector<1x2048xf32>
    %mul3A_60 = arith.mulf %div3A_53, %div3A_40 : vector<1x2048xf32>
    %sub3A_61 = arith.subf %mul3A_59, %mul3A_60 : vector<1x2048xf32>
    %mul3A_62 = arith.mulf %div3A_53, %div3A_39 : vector<1x2048xf32>
    %mul3A_63 = arith.mulf %div3A_54, %div3A_38 : vector<1x2048xf32>
    %sub3A_64 = arith.subf %mul3A_62, %mul3A_63 : vector<1x2048xf32>
    %iota3A = tpu.iota {dimensions = array<i32: 1>} : vector<1x2048xi32>
    %ge3A = arith.constant 1 : i32
    %ge3A_65 = vector.broadcast %ge3A : i32 to vector<1x2048xi32>
    %ge3A_66 = arith.cmpi sge, %iota3A, %ge3A_65 : vector<1x2048xi32>
    %le3A = arith.constant 2045 : i32
    %le3A_67 = vector.broadcast %le3A : i32 to vector<1x2048xi32>
    %le3A_68 = arith.cmpi sle, %iota3A, %le3A_67 : vector<1x2048xi32>
    %and3A = arith.andi %ge3A_66, %le3A_68 : vector<1x2048xi1>
    %convert_element_type3A = arith.extui %and3A : vector<1x2048xi1> to vector<1x2048xi32>
    %convert_element_type3A_69 = arith.sitofp %convert_element_type3A : vector<1x2048xi32> to vector<1x2048xf32>
    %concatenate3A = tpu.concatenate %div3A_53, %div3A_54, %div3A_55, %div3A_38, %div3A_39, %div3A_40, %sub3A_58, %sub3A_61, %sub3A_64 in 0 : vector<1x2048xf32>, vector<1x2048xf32>, vector<1x2048xf32>, vector<1x2048xf32>, vector<1x2048xf32>, vector<1x2048xf32>, vector<1x2048xf32>, vector<1x2048xf32>, vector<1x2048xf32> -> vector<9x2048xf32>
    %mul3A_70 = vector.broadcast %convert_element_type3A_69 : vector<1x2048xf32> to vector<9x2048xf32>
    %mul3A_71 = arith.mulf %concatenate3A, %mul3A_70 : vector<9x2048xf32>
    %swap3A = arith.constant 0 : index
    %swap3A_72 = arith.constant 0 : index
    %swap3A_73 = arith.constant 0 : index
    %swap3A_74 = vector.load %arg2[%swap3A, %swap3A_72, %swap3A_73] : memref<1x9x2048xf32, #tpu.memory_space<vmem>>, vector<1x9x2048xf32>
    %swap3A_75 = vector.shape_cast %swap3A_74 : vector<1x9x2048xf32> to vector<9x2048xf32>
    %swap3A_76 = vector.shape_cast %mul3A_71 : vector<9x2048xf32> to vector<1x9x2048xf32>
    tpu.vector_store %arg2[%swap3A, %swap3A_72, %swap3A_73], %swap3A_76 {strides = array<i32>} : memref<1x9x2048xf32, #tpu.memory_space<vmem>>, vector<1x9x2048xf32>,
    return
  }
  func.func @transform_0(%arg0: i32) -> (i32, i32, i32) {
    %c0_i32 = arith.constant 0 : i32
    %c0_i32_0 = arith.constant 0 : i32
    %c0_i32_1 = arith.constant 0 : i32
    return %arg0, %c0_i32, %c0_i32_0 : i32, i32, i32
  }
  func.func @transform_1(%arg0: i32) -> (i32, i32, i32) {
    %c0_i32 = arith.constant 0 : i32
    %c0_i32_0 = arith.constant 0 : i32
    %c0_i32_1 = arith.constant 0 : i32
    return %arg0, %c0_i32, %c0_i32_0 : i32, i32, i32
  }
}

module attributes {stable_mosaic.version = 14 : i64} {
  func.func @_knn_body(%arg0: i32, %arg1: i32, %arg2: memref<1x2048x3xf32, #tpu.memory_space<vmem>>, %arg3: memref<1x3x2048xf32, #tpu.memory_space<vmem>>, %arg4: memref<1x2048x30xi32, #tpu.memory_space<vmem>>) attributes {dimension_semantics = [#tpu.dimension_semantics<arbitrary>, #tpu.dimension_semantics<arbitrary>], iteration_bounds = array<i64: 2, 1>, scalar_prefetch = 0 : i64, scratch_operands = 0 : i64, tpu.core_type = #tpu.core_type<tc>, window_params = [{transform_indices = @transform_0, window_bounds = array<i64: 1, 2048, 3>}, {transform_indices = @transform_1, window_bounds = array<i64: 1, 3, 2048>}, {transform_indices = @transform_2, window_bounds = array<i64: 1, 2048, 30>}]} {
    %mul3A = arith.constant 2048 : i32
    %mul3A_0 = arith.muli %arg1, %mul3A : i32
    %get3A = arith.constant 0 : index
    %get3A_1 = arith.index_cast %mul3A_0 : i32 to index
    %get3A_2 = arith.constant 0 : index
    %get3A_3 = vector.load %arg2[%get3A, %get3A_1, %get3A_2] : memref<1x2048x3xf32, #tpu.memory_space<vmem>>, vector<1x2048x3xf32>
    %get3A_4 = vector.shape_cast %get3A_3 : vector<1x2048x3xf32> to vector<2048x3xf32>
    %slice3A = vector.extract_strided_slice %get3A_4 {offsets = [0, 0], sizes = [2048, 1], strides = [1, 1]} : vector<2048x3xf32> to vector<2048x1xf32>
    %slice3A_5 = vector.extract_strided_slice %get3A_4 {offsets = [0, 1], sizes = [2048, 1], strides = [1, 1]} : vector<2048x3xf32> to vector<2048x1xf32>
    %slice3A_6 = vector.extract_strided_slice %get3A_4 {offsets = [0, 2], sizes = [2048, 1], strides = [1, 1]} : vector<2048x3xf32> to vector<2048x1xf32>
    %get3A_7 = arith.constant 0 : index
    %get3A_8 = arith.constant 0 : index
    %get3A_9 = arith.constant 0 : index
    %get3A_10 = vector.load %arg3[%get3A_7, %get3A_8, %get3A_9] : memref<1x3x2048xf32, #tpu.memory_space<vmem>>, vector<1x1x2048xf32>
    %get3A_11 = vector.shape_cast %get3A_10 : vector<1x1x2048xf32> to vector<1x2048xf32>
    %get3A_12 = arith.constant 0 : index
    %get3A_13 = arith.constant 1 : index
    %get3A_14 = arith.constant 0 : index
    %get3A_15 = vector.load %arg3[%get3A_12, %get3A_13, %get3A_14] : memref<1x3x2048xf32, #tpu.memory_space<vmem>>, vector<1x1x2048xf32>
    %get3A_16 = vector.shape_cast %get3A_15 : vector<1x1x2048xf32> to vector<1x2048xf32>
    %get3A_17 = arith.constant 0 : index
    %get3A_18 = arith.constant 2 : index
    %get3A_19 = arith.constant 0 : index
    %get3A_20 = vector.load %arg3[%get3A_17, %get3A_18, %get3A_19] : memref<1x3x2048xf32, #tpu.memory_space<vmem>>, vector<1x1x2048xf32>
    %get3A_21 = vector.shape_cast %get3A_20 : vector<1x1x2048xf32> to vector<1x2048xf32>
    %sub3A = vector.broadcast %slice3A : vector<2048x1xf32> to vector<2048x2048xf32>
    %sub3A_22 = vector.broadcast %get3A_11 : vector<1x2048xf32> to vector<2048x2048xf32>
    %sub3A_23 = arith.subf %sub3A, %sub3A_22 : vector<2048x2048xf32>
    %sub3A_24 = vector.broadcast %slice3A_5 : vector<2048x1xf32> to vector<2048x2048xf32>
    %sub3A_25 = vector.broadcast %get3A_16 : vector<1x2048xf32> to vector<2048x2048xf32>
    %sub3A_26 = arith.subf %sub3A_24, %sub3A_25 : vector<2048x2048xf32>
    %sub3A_27 = vector.broadcast %slice3A_6 : vector<2048x1xf32> to vector<2048x2048xf32>
    %sub3A_28 = vector.broadcast %get3A_21 : vector<1x2048xf32> to vector<2048x2048xf32>
    %sub3A_29 = arith.subf %sub3A_27, %sub3A_28 : vector<2048x2048xf32>
    %mul3A_30 = arith.mulf %sub3A_23, %sub3A_23 : vector<2048x2048xf32>
    %mul3A_31 = arith.mulf %sub3A_26, %sub3A_26 : vector<2048x2048xf32>
    %add3A = arith.addf %mul3A_30, %mul3A_31 : vector<2048x2048xf32>
    %mul3A_32 = arith.mulf %sub3A_29, %sub3A_29 : vector<2048x2048xf32>
    %add3A_33 = arith.addf %add3A, %mul3A_32 : vector<2048x2048xf32>
    %add3A_34 = arith.constant 9.99999997E-7 : f32
    %add3A_35 = vector.broadcast %add3A_34 : f32 to vector<2048x2048xf32>
    %add3A_36 = arith.addf %add3A_33, %add3A_35 : vector<2048x2048xf32>
    %sqrt3A = math.sqrt %add3A_36 : vector<2048x2048xf32>
    %iota3A = tpu.iota {dimensions = array<i32: 1>} : vector<2048x2048xi32>
    %iota3A_37 = tpu.iota {dimensions = array<i32: 1>} : vector<2048x128xi32>
    %iota3A_38 = tpu.iota {dimensions = array<i32: 1>} : vector<2048x32xi32>
    %broadcast_in_dim3A = arith.constant 0 : i32
    %broadcast_in_dim3A_39 = vector.broadcast %broadcast_in_dim3A : i32 to vector<2048x32xi32>
    %broadcast_in_dim3A_40 = arith.constant -1 : i32
    %broadcast_in_dim3A_41 = vector.broadcast %broadcast_in_dim3A_40 : i32 to vector<2048x1xi32>
    %scan3A = arith.constant 0x7F800000 : f32
    %scan3A_42 = arith.constant 0 : i32
    %scan3A_43 = arith.constant 30 : i32
    %scan3A_44 = arith.addi %scan3A_42, %scan3A_43 : i32
    %scan3A_45 = arith.constant 1 : i32
    %scan3A_46:3 = scf.for %scan3A_54 = %scan3A_42 to %scan3A_44 step %scan3A_45 iter_args(%scan3A_55 = %sqrt3A, %scan3A_56 = %broadcast_in_dim3A_39, %scan3A_57 = %broadcast_in_dim3A_41) -> (vector<2048x2048xf32>, vector<2048x32xi32>, vector<2048x1xi32>)  : i32 {
      %eq3A = vector.broadcast %scan3A_57 : vector<2048x1xi32> to vector<2048x2048xi32>
      %eq3A_58 = arith.cmpi eq, %iota3A, %eq3A : vector<2048x2048xi32>
      %broadcast_in_dim3A_59 = vector.broadcast %scan3A : f32 to vector<2048x2048xf32>
      %select_n3A = arith.select %eq3A_58, %broadcast_in_dim3A_59, %scan3A_55 : vector<2048x2048xi1>, vector<2048x2048xf32>
      %slice3A_60 = vector.extract_strided_slice %select_n3A {offsets = [0, 0], sizes = [2048, 128], strides = [1, 1]} : vector<2048x2048xf32> to vector<2048x128xf32>
      %slice3A_61 = vector.extract_strided_slice %select_n3A {offsets = [0, 128], sizes = [2048, 128], strides = [1, 1]} : vector<2048x2048xf32> to vector<2048x128xf32>
      %lt3A = arith.cmpf olt, %slice3A_61, %slice3A_60 : vector<2048x128xf32>
      %add3A_62 = arith.constant 128 : i32
      %add3A_63 = vector.broadcast %add3A_62 : i32 to vector<2048x128xi32>
      %add3A_64 = arith.addi %iota3A_37, %add3A_63 : vector<2048x128xi32>
      %select_n3A_65 = arith.select %lt3A, %add3A_64, %iota3A_37 : vector<2048x128xi1>, vector<2048x128xi32>
      %select_n3A_66 = arith.select %lt3A, %slice3A_61, %slice3A_60 : vector<2048x128xi1>, vector<2048x128xf32>
      %slice3A_67 = vector.extract_strided_slice %select_n3A {offsets = [0, 256], sizes = [2048, 128], strides = [1, 1]} : vector<2048x2048xf32> to vector<2048x128xf32>
      %lt3A_68 = arith.cmpf olt, %slice3A_67, %select_n3A_66 : vector<2048x128xf32>
      %add3A_69 = arith.constant 256 : i32
      %add3A_70 = vector.broadcast %add3A_69 : i32 to vector<2048x128xi32>
      %add3A_71 = arith.addi %iota3A_37, %add3A_70 : vector<2048x128xi32>
      %select_n3A_72 = arith.select %lt3A_68, %add3A_71, %select_n3A_65 : vector<2048x128xi1>, vector<2048x128xi32>
      %select_n3A_73 = arith.select %lt3A_68, %slice3A_67, %select_n3A_66 : vector<2048x128xi1>, vector<2048x128xf32>
      %slice3A_74 = vector.extract_strided_slice %select_n3A {offsets = [0, 384], sizes = [2048, 128], strides = [1, 1]} : vector<2048x2048xf32> to vector<2048x128xf32>
      %lt3A_75 = arith.cmpf olt, %slice3A_74, %select_n3A_73 : vector<2048x128xf32>
      %add3A_76 = arith.constant 384 : i32
      %add3A_77 = vector.broadcast %add3A_76 : i32 to vector<2048x128xi32>
      %add3A_78 = arith.addi %iota3A_37, %add3A_77 : vector<2048x128xi32>
      %select_n3A_79 = arith.select %lt3A_75, %add3A_78, %select_n3A_72 : vector<2048x128xi1>, vector<2048x128xi32>
      %select_n3A_80 = arith.select %lt3A_75, %slice3A_74, %select_n3A_73 : vector<2048x128xi1>, vector<2048x128xf32>
      %slice3A_81 = vector.extract_strided_slice %select_n3A {offsets = [0, 512], sizes = [2048, 128], strides = [1, 1]} : vector<2048x2048xf32> to vector<2048x128xf32>
      %lt3A_82 = arith.cmpf olt, %slice3A_81, %select_n3A_80 : vector<2048x128xf32>
      %add3A_83 = arith.constant 512 : i32
      %add3A_84 = vector.broadcast %add3A_83 : i32 to vector<2048x128xi32>
      %add3A_85 = arith.addi %iota3A_37, %add3A_84 : vector<2048x128xi32>
      %select_n3A_86 = arith.select %lt3A_82, %add3A_85, %select_n3A_79 : vector<2048x128xi1>, vector<2048x128xi32>
      %select_n3A_87 = arith.select %lt3A_82, %slice3A_81, %select_n3A_80 : vector<2048x128xi1>, vector<2048x128xf32>
      %slice3A_88 = vector.extract_strided_slice %select_n3A {offsets = [0, 640], sizes = [2048, 128], strides = [1, 1]} : vector<2048x2048xf32> to vector<2048x128xf32>
      %lt3A_89 = arith.cmpf olt, %slice3A_88, %select_n3A_87 : vector<2048x128xf32>
      %add3A_90 = arith.constant 640 : i32
      %add3A_91 = vector.broadcast %add3A_90 : i32 to vector<2048x128xi32>
      %add3A_92 = arith.addi %iota3A_37, %add3A_91 : vector<2048x128xi32>
      %select_n3A_93 = arith.select %lt3A_89, %add3A_92, %select_n3A_86 : vector<2048x128xi1>, vector<2048x128xi32>
      %select_n3A_94 = arith.select %lt3A_89, %slice3A_88, %select_n3A_87 : vector<2048x128xi1>, vector<2048x128xf32>
      %slice3A_95 = vector.extract_strided_slice %select_n3A {offsets = [0, 768], sizes = [2048, 128], strides = [1, 1]} : vector<2048x2048xf32> to vector<2048x128xf32>
      %lt3A_96 = arith.cmpf olt, %slice3A_95, %select_n3A_94 : vector<2048x128xf32>
      %add3A_97 = arith.constant 768 : i32
      %add3A_98 = vector.broadcast %add3A_97 : i32 to vector<2048x128xi32>
      %add3A_99 = arith.addi %iota3A_37, %add3A_98 : vector<2048x128xi32>
      %select_n3A_100 = arith.select %lt3A_96, %add3A_99, %select_n3A_93 : vector<2048x128xi1>, vector<2048x128xi32>
      %select_n3A_101 = arith.select %lt3A_96, %slice3A_95, %select_n3A_94 : vector<2048x128xi1>, vector<2048x128xf32>
      %slice3A_102 = vector.extract_strided_slice %select_n3A {offsets = [0, 896], sizes = [2048, 128], strides = [1, 1]} : vector<2048x2048xf32> to vector<2048x128xf32>
      %lt3A_103 = arith.cmpf olt, %slice3A_102, %select_n3A_101 : vector<2048x128xf32>
      %add3A_104 = arith.constant 896 : i32
      %add3A_105 = vector.broadcast %add3A_104 : i32 to vector<2048x128xi32>
      %add3A_106 = arith.addi %iota3A_37, %add3A_105 : vector<2048x128xi32>
      %select_n3A_107 = arith.select %lt3A_103, %add3A_106, %select_n3A_100 : vector<2048x128xi1>, vector<2048x128xi32>
      %select_n3A_108 = arith.select %lt3A_103, %slice3A_102, %select_n3A_101 : vector<2048x128xi1>, vector<2048x128xf32>
      %slice3A_109 = vector.extract_strided_slice %select_n3A {offsets = [0, 1024], sizes = [2048, 128], strides = [1, 1]} : vector<2048x2048xf32> to vector<2048x128xf32>
      %lt3A_110 = arith.cmpf olt, %slice3A_109, %select_n3A_108 : vector<2048x128xf32>
      %add3A_111 = arith.constant 1024 : i32
      %add3A_112 = vector.broadcast %add3A_111 : i32 to vector<2048x128xi32>
      %add3A_113 = arith.addi %iota3A_37, %add3A_112 : vector<2048x128xi32>
      %select_n3A_114 = arith.select %lt3A_110, %add3A_113, %select_n3A_107 : vector<2048x128xi1>, vector<2048x128xi32>
      %select_n3A_115 = arith.select %lt3A_110, %slice3A_109, %select_n3A_108 : vector<2048x128xi1>, vector<2048x128xf32>
      %slice3A_116 = vector.extract_strided_slice %select_n3A {offsets = [0, 1152], sizes = [2048, 128], strides = [1, 1]} : vector<2048x2048xf32> to vector<2048x128xf32>
      %lt3A_117 = arith.cmpf olt, %slice3A_116, %select_n3A_115 : vector<2048x128xf32>
      %add3A_118 = arith.constant 1152 : i32
      %add3A_119 = vector.broadcast %add3A_118 : i32 to vector<2048x128xi32>
      %add3A_120 = arith.addi %iota3A_37, %add3A_119 : vector<2048x128xi32>
      %select_n3A_121 = arith.select %lt3A_117, %add3A_120, %select_n3A_114 : vector<2048x128xi1>, vector<2048x128xi32>
      %select_n3A_122 = arith.select %lt3A_117, %slice3A_116, %select_n3A_115 : vector<2048x128xi1>, vector<2048x128xf32>
      %slice3A_123 = vector.extract_strided_slice %select_n3A {offsets = [0, 1280], sizes = [2048, 128], strides = [1, 1]} : vector<2048x2048xf32> to vector<2048x128xf32>
      %lt3A_124 = arith.cmpf olt, %slice3A_123, %select_n3A_122 : vector<2048x128xf32>
      %add3A_125 = arith.constant 1280 : i32
      %add3A_126 = vector.broadcast %add3A_125 : i32 to vector<2048x128xi32>
      %add3A_127 = arith.addi %iota3A_37, %add3A_126 : vector<2048x128xi32>
      %select_n3A_128 = arith.select %lt3A_124, %add3A_127, %select_n3A_121 : vector<2048x128xi1>, vector<2048x128xi32>
      %select_n3A_129 = arith.select %lt3A_124, %slice3A_123, %select_n3A_122 : vector<2048x128xi1>, vector<2048x128xf32>
      %slice3A_130 = vector.extract_strided_slice %select_n3A {offsets = [0, 1408], sizes = [2048, 128], strides = [1, 1]} : vector<2048x2048xf32> to vector<2048x128xf32>
      %lt3A_131 = arith.cmpf olt, %slice3A_130, %select_n3A_129 : vector<2048x128xf32>
      %add3A_132 = arith.constant 1408 : i32
      %add3A_133 = vector.broadcast %add3A_132 : i32 to vector<2048x128xi32>
      %add3A_134 = arith.addi %iota3A_37, %add3A_133 : vector<2048x128xi32>
      %select_n3A_135 = arith.select %lt3A_131, %add3A_134, %select_n3A_128 : vector<2048x128xi1>, vector<2048x128xi32>
      %select_n3A_136 = arith.select %lt3A_131, %slice3A_130, %select_n3A_129 : vector<2048x128xi1>, vector<2048x128xf32>
      %slice3A_137 = vector.extract_strided_slice %select_n3A {offsets = [0, 1536], sizes = [2048, 128], strides = [1, 1]} : vector<2048x2048xf32> to vector<2048x128xf32>
      %lt3A_138 = arith.cmpf olt, %slice3A_137, %select_n3A_136 : vector<2048x128xf32>
      %add3A_139 = arith.constant 1536 : i32
      %add3A_140 = vector.broadcast %add3A_139 : i32 to vector<2048x128xi32>
      %add3A_141 = arith.addi %iota3A_37, %add3A_140 : vector<2048x128xi32>
      %select_n3A_142 = arith.select %lt3A_138, %add3A_141, %select_n3A_135 : vector<2048x128xi1>, vector<2048x128xi32>
      %select_n3A_143 = arith.select %lt3A_138, %slice3A_137, %select_n3A_136 : vector<2048x128xi1>, vector<2048x128xf32>
      %slice3A_144 = vector.extract_strided_slice %select_n3A {offsets = [0, 1664], sizes = [2048, 128], strides = [1, 1]} : vector<2048x2048xf32> to vector<2048x128xf32>
      %lt3A_145 = arith.cmpf olt, %slice3A_144, %select_n3A_143 : vector<2048x128xf32>
      %add3A_146 = arith.constant 1664 : i32
      %add3A_147 = vector.broadcast %add3A_146 : i32 to vector<2048x128xi32>
      %add3A_148 = arith.addi %iota3A_37, %add3A_147 : vector<2048x128xi32>
      %select_n3A_149 = arith.select %lt3A_145, %add3A_148, %select_n3A_142 : vector<2048x128xi1>, vector<2048x128xi32>
      %select_n3A_150 = arith.select %lt3A_145, %slice3A_144, %select_n3A_143 : vector<2048x128xi1>, vector<2048x128xf32>
      %slice3A_151 = vector.extract_strided_slice %select_n3A {offsets = [0, 1792], sizes = [2048, 128], strides = [1, 1]} : vector<2048x2048xf32> to vector<2048x128xf32>
      %lt3A_152 = arith.cmpf olt, %slice3A_151, %select_n3A_150 : vector<2048x128xf32>
      %add3A_153 = arith.constant 1792 : i32
      %add3A_154 = vector.broadcast %add3A_153 : i32 to vector<2048x128xi32>
      %add3A_155 = arith.addi %iota3A_37, %add3A_154 : vector<2048x128xi32>
      %select_n3A_156 = arith.select %lt3A_152, %add3A_155, %select_n3A_149 : vector<2048x128xi1>, vector<2048x128xi32>
      %select_n3A_157 = arith.select %lt3A_152, %slice3A_151, %select_n3A_150 : vector<2048x128xi1>, vector<2048x128xf32>
      %slice3A_158 = vector.extract_strided_slice %select_n3A {offsets = [0, 1920], sizes = [2048, 128], strides = [1, 1]} : vector<2048x2048xf32> to vector<2048x128xf32>
      %lt3A_159 = arith.cmpf olt, %slice3A_158, %select_n3A_157 : vector<2048x128xf32>
      %add3A_160 = arith.constant 1920 : i32
      %add3A_161 = vector.broadcast %add3A_160 : i32 to vector<2048x128xi32>
      %add3A_162 = arith.addi %iota3A_37, %add3A_161 : vector<2048x128xi32>
      %select_n3A_163 = arith.select %lt3A_159, %add3A_162, %select_n3A_156 : vector<2048x128xi1>, vector<2048x128xi32>
      %select_n3A_164 = arith.select %lt3A_159, %slice3A_158, %select_n3A_157 : vector<2048x128xi1>, vector<2048x128xf32>
      %reduce_min3A = arith.constant dense<0x7F800000> : vector<2048xf32>
      %reduce_min3A_165 = vector.multi_reduction <minimumf>, %select_n3A_164, %reduce_min3A [1] : vector<2048x128xf32> to vector<2048xf32>
      %broadcast_in_dim3A_166 = vector.shape_cast %reduce_min3A_165 : vector<2048xf32> to vector<2048x1xf32>
      %eq3A_167 = vector.broadcast %broadcast_in_dim3A_166 : vector<2048x1xf32> to vector<2048x128xf32>
      %eq3A_168 = arith.cmpf oeq, %select_n3A_164, %eq3A_167 : vector<2048x128xf32>
      %jit3A = arith.constant 2048 : i32
      %broadcast_in_dim3A_169 = vector.broadcast %jit3A : i32 to vector<2048x128xi32>
      %select_n3A_170 = arith.select %eq3A_168, %select_n3A_163, %broadcast_in_dim3A_169 : vector<2048x128xi1>, vector<2048x128xi32>
      %reduce_min3A_171 = arith.constant dense<2147483647> : vector<2048xi32>
      %reduce_min3A_172 = vector.multi_reduction <minsi>, %select_n3A_170, %reduce_min3A_171 [1] : vector<2048x128xi32> to vector<2048xi32>
      %broadcast_in_dim3A_173 = vector.shape_cast %reduce_min3A_172 : vector<2048xi32> to vector<2048x1xi32>
      %eq3A_174 = vector.broadcast %scan3A_54 : i32 to vector<2048x32xi32>
      %eq3A_175 = arith.cmpi eq, %iota3A_38, %eq3A_174 : vector<2048x32xi32>
      %broadcast_in_dim3A_176 = vector.shape_cast %broadcast_in_dim3A_173 : vector<2048x1xi32> to vector<2048x1xi32>
      %broadcast_in_dim3A_177 = vector.broadcast %broadcast_in_dim3A_176 : vector<2048x1xi32> to vector<2048x32xi32>
      %select_n3A_178 = arith.select %eq3A_175, %broadcast_in_dim3A_177, %scan3A_56 : vector<2048x32xi1>, vector<2048x32xi32>
      scf.yield %select_n3A, %select_n3A_178, %broadcast_in_dim3A_173 : vector<2048x2048xf32>, vector<2048x32xi32>, vector<2048x1xi32>
    }
    %scan3A_47 = arith.constant 30 : i32
    %slice3A_48 = vector.extract_strided_slice %scan3A_46#1 {offsets = [0, 0], sizes = [2048, 30], strides = [1, 1]} : vector<2048x32xi32> to vector<2048x30xi32>
    %swap3A = arith.constant 0 : index
    %swap3A_49 = arith.constant 0 : index
    %swap3A_50 = arith.constant 0 : index
    %swap3A_51 = vector.load %arg4[%swap3A, %swap3A_49, %swap3A_50] : memref<1x2048x30xi32, #tpu.memory_space<vmem>>, vector<1x2048x30xi32>
    %swap3A_52 = vector.shape_cast %swap3A_51 : vector<1x2048x30xi32> to vector<2048x30xi32>
    %swap3A_53 = vector.shape_cast %slice3A_48 : vector<2048x30xi32> to vector<1x2048x30xi32>
    tpu.vector_store %arg4[%swap3A, %swap3A_49, %swap3A_50], %swap3A_53 {strides = array<i32>} : memref<1x2048x30xi32, #tpu.memory_space<vmem>>, vector<1x2048x30xi32>,
    return
  }
  func.func @transform_0(%arg0: i32, %arg1: i32) -> (i32, i32, i32) {
    %c0_i32 = arith.constant 0 : i32
    %c0_i32_0 = arith.constant 0 : i32
    %c0_i32_1 = arith.constant 0 : i32
    return %arg0, %c0_i32, %c0_i32_0 : i32, i32, i32
  }
  func.func @transform_1(%arg0: i32, %arg1: i32) -> (i32, i32, i32) {
    %c0_i32 = arith.constant 0 : i32
    %c0_i32_0 = arith.constant 0 : i32
    %c0_i32_1 = arith.constant 0 : i32
    return %arg0, %c0_i32, %c0_i32_0 : i32, i32, i32
  }
  func.func @transform_2(%arg0: i32, %arg1: i32) -> (i32, i32, i32) {
    %c0_i32 = arith.constant 0 : i32
    %c0_i32_0 = arith.constant 0 : i32
    return %arg0, %arg1, %c0_i32 : i32, i32, i32
  }
}

module attributes {stable_mosaic.version = 14 : i64} {
  func.func @_edge_body(%arg0: i32, %arg1: i32, %arg2: memref<1x24x1920xf32, #tpu.memory_space<vmem>>, %arg3: memref<1x1x1920xi32, #tpu.memory_space<vmem>>, %arg4: memref<48x128xf32, #tpu.memory_space<vmem>>, %arg5: memref<3x128xf32, #tpu.memory_space<vmem>>, %arg6: memref<1x64x30x128xf32, #tpu.memory_space<vmem>>) attributes {dimension_semantics = [#tpu.dimension_semantics<arbitrary>, #tpu.dimension_semantics<arbitrary>], iteration_bounds = array<i64: 2, 32>, scalar_prefetch = 0 : i64, scratch_operands = 0 : i64, tpu.core_type = #tpu.core_type<tc>, window_params = [{transform_indices = @transform_0, window_bounds = array<i64: 1, 24, 1920>}, {transform_indices = @transform_1, window_bounds = array<i64: 1, 1, 1920>}, {pipeline_mode = #tpu.pipeline_mode<synchronous>, transform_indices = @transform_2, window_bounds = array<i64: 48, 128>}, {pipeline_mode = #tpu.pipeline_mode<synchronous>, transform_indices = @transform_3, window_bounds = array<i64: 3, 128>}, {transform_indices = @transform_4, window_bounds = array<i64: 1, 64, 30, 128>}]} {
    %get3A = arith.constant 0 : index
    %get3A_0 = arith.constant 0 : index
    %get3A_1 = arith.constant 0 : index
    %get3A_2 = vector.load %arg2[%get3A, %get3A_0, %get3A_1] : memref<1x24x1920xf32, #tpu.memory_space<vmem>>, vector<1x24x1920xf32>
    %get3A_3 = vector.shape_cast %get3A_2 : vector<1x24x1920xf32> to vector<24x1920xf32>
    %slice3A = vector.extract_strided_slice %get3A_3 {offsets = [0, 0], sizes = [1, 1920], strides = [1, 1]} : vector<24x1920xf32> to vector<1x1920xf32>
    %slice3A_4 = vector.extract_strided_slice %get3A_3 {offsets = [1, 0], sizes = [1, 1920], strides = [1, 1]} : vector<24x1920xf32> to vector<1x1920xf32>
    %slice3A_5 = vector.extract_strided_slice %get3A_3 {offsets = [2, 0], sizes = [1, 1920], strides = [1, 1]} : vector<24x1920xf32> to vector<1x1920xf32>
    %slice3A_6 = vector.extract_strided_slice %get3A_3 {offsets = [3, 0], sizes = [1, 1920], strides = [1, 1]} : vector<24x1920xf32> to vector<1x1920xf32>
    %slice3A_7 = vector.extract_strided_slice %get3A_3 {offsets = [4, 0], sizes = [1, 1920], strides = [1, 1]} : vector<24x1920xf32> to vector<1x1920xf32>
    %slice3A_8 = vector.extract_strided_slice %get3A_3 {offsets = [5, 0], sizes = [1, 1920], strides = [1, 1]} : vector<24x1920xf32> to vector<1x1920xf32>
    %slice3A_9 = vector.extract_strided_slice %get3A_3 {offsets = [6, 0], sizes = [1, 1920], strides = [1, 1]} : vector<24x1920xf32> to vector<1x1920xf32>
    %slice3A_10 = vector.extract_strided_slice %get3A_3 {offsets = [7, 0], sizes = [1, 1920], strides = [1, 1]} : vector<24x1920xf32> to vector<1x1920xf32>
    %slice3A_11 = vector.extract_strided_slice %get3A_3 {offsets = [8, 0], sizes = [1, 1920], strides = [1, 1]} : vector<24x1920xf32> to vector<1x1920xf32>
    %slice3A_12 = vector.extract_strided_slice %get3A_3 {offsets = [9, 0], sizes = [1, 1920], strides = [1, 1]} : vector<24x1920xf32> to vector<1x1920xf32>
    %slice3A_13 = vector.extract_strided_slice %get3A_3 {offsets = [10, 0], sizes = [1, 1920], strides = [1, 1]} : vector<24x1920xf32> to vector<1x1920xf32>
    %slice3A_14 = vector.extract_strided_slice %get3A_3 {offsets = [11, 0], sizes = [1, 1920], strides = [1, 1]} : vector<24x1920xf32> to vector<1x1920xf32>
    %slice3A_15 = vector.extract_strided_slice %get3A_3 {offsets = [12, 0], sizes = [1, 1920], strides = [1, 1]} : vector<24x1920xf32> to vector<1x1920xf32>
    %slice3A_16 = vector.extract_strided_slice %get3A_3 {offsets = [13, 0], sizes = [1, 1920], strides = [1, 1]} : vector<24x1920xf32> to vector<1x1920xf32>
    %slice3A_17 = vector.extract_strided_slice %get3A_3 {offsets = [14, 0], sizes = [1, 1920], strides = [1, 1]} : vector<24x1920xf32> to vector<1x1920xf32>
    %slice3A_18 = vector.extract_strided_slice %get3A_3 {offsets = [15, 0], sizes = [1, 1920], strides = [1, 1]} : vector<24x1920xf32> to vector<1x1920xf32>
    %slice3A_19 = vector.extract_strided_slice %get3A_3 {offsets = [16, 0], sizes = [1, 1920], strides = [1, 1]} : vector<24x1920xf32> to vector<1x1920xf32>
    %slice3A_20 = vector.extract_strided_slice %get3A_3 {offsets = [17, 0], sizes = [1, 1920], strides = [1, 1]} : vector<24x1920xf32> to vector<1x1920xf32>
    %slice3A_21 = vector.extract_strided_slice %get3A_3 {offsets = [18, 0], sizes = [1, 1920], strides = [1, 1]} : vector<24x1920xf32> to vector<1x1920xf32>
    %slice3A_22 = vector.extract_strided_slice %get3A_3 {offsets = [19, 0], sizes = [1, 1920], strides = [1, 1]} : vector<24x1920xf32> to vector<1x1920xf32>
    %slice3A_23 = vector.extract_strided_slice %get3A_3 {offsets = [20, 0], sizes = [1, 1920], strides = [1, 1]} : vector<24x1920xf32> to vector<1x1920xf32>
    %slice3A_24 = vector.extract_strided_slice %get3A_3 {offsets = [21, 0], sizes = [1, 1920], strides = [1, 1]} : vector<24x1920xf32> to vector<1x1920xf32>
    %slice3A_25 = vector.extract_strided_slice %get3A_3 {offsets = [22, 0], sizes = [1, 1920], strides = [1, 1]} : vector<24x1920xf32> to vector<1x1920xf32>
    %slice3A_26 = vector.extract_strided_slice %get3A_3 {offsets = [23, 0], sizes = [1, 1920], strides = [1, 1]} : vector<24x1920xf32> to vector<1x1920xf32>
    %get3A_27 = arith.constant 0 : index
    %get3A_28 = arith.constant 0 : index
    %get3A_29 = arith.constant 0 : index
    %get3A_30 = vector.load %arg3[%get3A_27, %get3A_28, %get3A_29] : memref<1x1x1920xi32, #tpu.memory_space<vmem>>, vector<1x1x1920xi32>
    %get3A_31 = vector.shape_cast %get3A_30 : vector<1x1x1920xi32> to vector<1x1920xi32>
    %convert_element_type3A = arith.sitofp %get3A_31 : vector<1x1920xi32> to vector<1x1920xf32>
    %sub3A = arith.subf %slice3A_24, %slice3A_12 : vector<1x1920xf32>
    %sub3A_32 = arith.subf %slice3A_25, %slice3A_13 : vector<1x1920xf32>
    %sub3A_33 = arith.subf %slice3A_26, %slice3A_14 : vector<1x1920xf32>
    %mul3A = arith.mulf %sub3A, %sub3A : vector<1x1920xf32>
    %mul3A_34 = arith.mulf %sub3A_32, %sub3A_32 : vector<1x1920xf32>
    %add3A = arith.addf %mul3A, %mul3A_34 : vector<1x1920xf32>
    %mul3A_35 = arith.mulf %sub3A_33, %sub3A_33 : vector<1x1920xf32>
    %add3A_36 = arith.addf %add3A, %mul3A_35 : vector<1x1920xf32>
    %add3A_37 = arith.constant 9.99999997E-7 : f32
    %add3A_38 = vector.broadcast %add3A_37 : f32 to vector<1x1920xf32>
    %add3A_39 = arith.addf %add3A_36, %add3A_38 : vector<1x1920xf32>
    %sqrt3A = math.sqrt %add3A_39 : vector<1x1920xf32>
    %iota3A = tpu.iota {dimensions = array<i32: 1>} : vector<1x1920xi32>
    %mul3A_40 = arith.constant 1920 : i32
    %mul3A_41 = arith.muli %arg1, %mul3A_40 : i32
    %add3A_42 = vector.broadcast %mul3A_41 : i32 to vector<1x1920xi32>
    %add3A_43 = arith.addi %iota3A, %add3A_42 : vector<1x1920xi32>
    %jit3A = arith.constant 30 : i32
    %div3A = vector.broadcast %jit3A : i32 to vector<1x1920xi32>
    %div3A_44 = arith.divsi %add3A_43, %div3A : vector<1x1920xi32>
    %sign3A = arith.constant 0 : i32
    %sign3A_45 = vector.broadcast %sign3A : i32 to vector<1x1920xi32>
    %sign3A_46 = arith.cmpi sgt, %add3A_43, %sign3A_45 : vector<1x1920xi32>
    %sign3A_47 = arith.extui %sign3A_46 : vector<1x1920xi1> to vector<1x1920xi32>
    %sign3A_48 = arith.constant 0 : i32
    %sign3A_49 = vector.broadcast %sign3A_48 : i32 to vector<1x1920xi32>
    %sign3A_50 = arith.cmpi slt, %add3A_43, %sign3A_49 : vector<1x1920xi32>
    %sign3A_51 = arith.extui %sign3A_50 : vector<1x1920xi1> to vector<1x1920xi32>
    %sign3A_52 = arith.subi %sign3A_47, %sign3A_51 : vector<1x1920xi32>
    %sign3A_53 = arith.constant 0 : i32
    %sign3A_54 = arith.cmpi sgt, %jit3A, %sign3A_53 : i32
    %sign3A_55 = arith.extui %sign3A_54 : i1 to i32
    %sign3A_56 = arith.constant 0 : i32
    %sign3A_57 = arith.cmpi slt, %jit3A, %sign3A_56 : i32
    %sign3A_58 = arith.extui %sign3A_57 : i1 to i32
    %sign3A_59 = arith.subi %sign3A_55, %sign3A_58 : i32
    %ne3A = vector.broadcast %sign3A_59 : i32 to vector<1x1920xi32>
    %ne3A_60 = arith.cmpi ne, %sign3A_52, %ne3A : vector<1x1920xi32>
    %rem3A = vector.broadcast %jit3A : i32 to vector<1x1920xi32>
    %rem3A_61 = arith.remsi %add3A_43, %rem3A : vector<1x1920xi32>
    %ne3A_62 = arith.constant 0 : i32
    %ne3A_63 = vector.broadcast %ne3A_62 : i32 to vector<1x1920xi32>
    %ne3A_64 = arith.cmpi ne, %rem3A_61, %ne3A_63 : vector<1x1920xi32>
    %and3A = arith.andi %ne3A_60, %ne3A_64 : vector<1x1920xi1>
    %sub3A_65 = arith.constant 1 : i32
    %sub3A_66 = vector.broadcast %sub3A_65 : i32 to vector<1x1920xi32>
    %sub3A_67 = arith.subi %div3A_44, %sub3A_66 : vector<1x1920xi32>
    %select_n3A = arith.select %and3A, %sub3A_67, %div3A_44 : vector<1x1920xi1>, vector<1x1920xi32>
    %convert_element_type3A_68 = arith.sitofp %select_n3A : vector<1x1920xi32> to vector<1x1920xf32>
    %sub3A_69 = arith.subf %convert_element_type3A, %convert_element_type3A_68 : vector<1x1920xf32>
    %iota3A_70 = tpu.iota {dimensions = array<i32: 0>} : vector<8x1xi32>
    %convert_element_type3A_71 = arith.sitofp %iota3A_70 : vector<8x1xi32> to vector<8x1xf32>
    %mul3A_72 = arith.constant -1.15129256 : f32
    %mul3A_73 = vector.broadcast %mul3A_72 : f32 to vector<8x1xf32>
    %mul3A_74 = arith.mulf %convert_element_type3A_71, %mul3A_73 : vector<8x1xf32>
    %exp3A = math.exp %mul3A_74 : vector<8x1xf32>
    %mul3A_75 = vector.broadcast %sub3A_69 : vector<1x1920xf32> to vector<8x1920xf32>
    %mul3A_76 = vector.broadcast %exp3A : vector<8x1xf32> to vector<8x1920xf32>
    %mul3A_77 = arith.mulf %mul3A_75, %mul3A_76 : vector<8x1920xf32>
    %cos3A = math.cos %mul3A_77 : vector<8x1920xf32>
    %sin3A = math.sin %mul3A_77 : vector<8x1920xf32>
    %iota3A_78 = tpu.iota {dimensions = array<i32: 0>} : vector<16x1xi32>
    %convert_element_type3A_79 = arith.sitofp %iota3A_78 : vector<16x1xi32> to vector<16x1xf32>
    %mul3A_80 = arith.constant 1.33333337 : f32
    %mul3A_81 = vector.broadcast %mul3A_80 : f32 to vector<16x1xf32>
    %mul3A_82 = arith.mulf %convert_element_type3A_79, %mul3A_81 : vector<16x1xf32>
    %sub3A_83 = vector.broadcast %sqrt3A : vector<1x1920xf32> to vector<16x1920xf32>
    %sub3A_84 = vector.broadcast %mul3A_82 : vector<16x1xf32> to vector<16x1920xf32>
    %sub3A_85 = arith.subf %sub3A_83, %sub3A_84 : vector<16x1920xf32>
    %div3A_86 = arith.constant 1.250000e+00 : f32
    %div3A_87 = vector.broadcast %div3A_86 : f32 to vector<16x1920xf32>
    %div3A_88 = arith.divf %sub3A_85, %div3A_87 : vector<16x1920xf32>
    %square3A = arith.mulf %div3A_88, %div3A_88 : vector<16x1920xf32>
    %neg3A = arith.constant 0.000000e+00 : f32
    %neg3A_89 = vector.broadcast %neg3A : f32 to vector<16x1920xf32>
    %neg3A_90 = arith.subf %neg3A_89, %square3A : vector<16x1920xf32>
    %exp3A_91 = math.exp %neg3A_90 : vector<16x1920xf32>
    %sub3A_92 = arith.subf %slice3A_12, %slice3A_24 : vector<1x1920xf32>
    %sub3A_93 = arith.subf %slice3A_13, %slice3A_25 : vector<1x1920xf32>
    %sub3A_94 = arith.subf %slice3A_14, %slice3A_26 : vector<1x1920xf32>
    %convert_element_type3A_95 = arith.truncf %slice3A_15 : vector<1x1920xf32> to vector<1x1920xbf16>
    %convert_element_type3A_96 = arith.extf %convert_element_type3A_95 : vector<1x1920xbf16> to vector<1x1920xf32>
    %convert_element_type3A_97 = arith.truncf %slice3A_16 : vector<1x1920xf32> to vector<1x1920xbf16>
    %convert_element_type3A_98 = arith.extf %convert_element_type3A_97 : vector<1x1920xbf16> to vector<1x1920xf32>
    %convert_element_type3A_99 = arith.truncf %slice3A_17 : vector<1x1920xf32> to vector<1x1920xbf16>
    %convert_element_type3A_100 = arith.extf %convert_element_type3A_99 : vector<1x1920xbf16> to vector<1x1920xf32>
    %convert_element_type3A_101 = arith.truncf %slice3A_18 : vector<1x1920xf32> to vector<1x1920xbf16>
    %convert_element_type3A_102 = arith.extf %convert_element_type3A_101 : vector<1x1920xbf16> to vector<1x1920xf32>
    %convert_element_type3A_103 = arith.truncf %slice3A_19 : vector<1x1920xf32> to vector<1x1920xbf16>
    %convert_element_type3A_104 = arith.extf %convert_element_type3A_103 : vector<1x1920xbf16> to vector<1x1920xf32>
    %convert_element_type3A_105 = arith.truncf %slice3A_20 : vector<1x1920xf32> to vector<1x1920xbf16>
    %convert_element_type3A_106 = arith.extf %convert_element_type3A_105 : vector<1x1920xbf16> to vector<1x1920xf32>
    %convert_element_type3A_107 = arith.truncf %slice3A_21 : vector<1x1920xf32> to vector<1x1920xbf16>
    %convert_element_type3A_108 = arith.extf %convert_element_type3A_107 : vector<1x1920xbf16> to vector<1x1920xf32>
    %convert_element_type3A_109 = arith.truncf %slice3A_22 : vector<1x1920xf32> to vector<1x1920xbf16>
    %convert_element_type3A_110 = arith.extf %convert_element_type3A_109 : vector<1x1920xbf16> to vector<1x1920xf32>
    %convert_element_type3A_111 = arith.truncf %slice3A_23 : vector<1x1920xf32> to vector<1x1920xbf16>
    %convert_element_type3A_112 = arith.extf %convert_element_type3A_111 : vector<1x1920xbf16> to vector<1x1920xf32>
    %convert_element_type3A_113 = arith.truncf %slice3A : vector<1x1920xf32> to vector<1x1920xbf16>
    %convert_element_type3A_114 = arith.extf %convert_element_type3A_113 : vector<1x1920xbf16> to vector<1x1920xf32>
    %convert_element_type3A_115 = arith.truncf %slice3A_4 : vector<1x1920xf32> to vector<1x1920xbf16>
    %convert_element_type3A_116 = arith.extf %convert_element_type3A_115 : vector<1x1920xbf16> to vector<1x1920xf32>
    %convert_element_type3A_117 = arith.truncf %slice3A_5 : vector<1x1920xf32> to vector<1x1920xbf16>
    %convert_element_type3A_118 = arith.extf %convert_element_type3A_117 : vector<1x1920xbf16> to vector<1x1920xf32>
    %convert_element_type3A_119 = arith.truncf %slice3A_6 : vector<1x1920xf32> to vector<1x1920xbf16>
    %convert_element_type3A_120 = arith.extf %convert_element_type3A_119 : vector<1x1920xbf16> to vector<1x1920xf32>
    %convert_element_type3A_121 = arith.truncf %slice3A_7 : vector<1x1920xf32> to vector<1x1920xbf16>
    %convert_element_type3A_122 = arith.extf %convert_element_type3A_121 : vector<1x1920xbf16> to vector<1x1920xf32>
    %convert_element_type3A_123 = arith.truncf %slice3A_8 : vector<1x1920xf32> to vector<1x1920xbf16>
    %convert_element_type3A_124 = arith.extf %convert_element_type3A_123 : vector<1x1920xbf16> to vector<1x1920xf32>
    %convert_element_type3A_125 = arith.truncf %slice3A_9 : vector<1x1920xf32> to vector<1x1920xbf16>
    %convert_element_type3A_126 = arith.extf %convert_element_type3A_125 : vector<1x1920xbf16> to vector<1x1920xf32>
    %convert_element_type3A_127 = arith.truncf %slice3A_10 : vector<1x1920xf32> to vector<1x1920xbf16>
    %convert_element_type3A_128 = arith.extf %convert_element_type3A_127 : vector<1x1920xbf16> to vector<1x1920xf32>
    %convert_element_type3A_129 = arith.truncf %slice3A_11 : vector<1x1920xf32> to vector<1x1920xbf16>
    %convert_element_type3A_130 = arith.extf %convert_element_type3A_129 : vector<1x1920xbf16> to vector<1x1920xf32>
    %convert_element_type3A_131 = arith.truncf %sub3A_92 : vector<1x1920xf32> to vector<1x1920xbf16>
    %convert_element_type3A_132 = arith.extf %convert_element_type3A_131 : vector<1x1920xbf16> to vector<1x1920xf32>
    %convert_element_type3A_133 = arith.truncf %sub3A_93 : vector<1x1920xf32> to vector<1x1920xbf16>
    %convert_element_type3A_134 = arith.extf %convert_element_type3A_133 : vector<1x1920xbf16> to vector<1x1920xf32>
    %convert_element_type3A_135 = arith.truncf %sub3A_94 : vector<1x1920xf32> to vector<1x1920xbf16>
    %convert_element_type3A_136 = arith.extf %convert_element_type3A_135 : vector<1x1920xbf16> to vector<1x1920xf32>
    %mul3A_137 = arith.mulf %convert_element_type3A_96, %convert_element_type3A_132 : vector<1x1920xf32>
    %mul3A_138 = arith.mulf %convert_element_type3A_98, %convert_element_type3A_134 : vector<1x1920xf32>
    %add3A_139 = arith.addf %mul3A_137, %mul3A_138 : vector<1x1920xf32>
    %mul3A_140 = arith.mulf %convert_element_type3A_100, %convert_element_type3A_136 : vector<1x1920xf32>
    %add3A_141 = arith.addf %add3A_139, %mul3A_140 : vector<1x1920xf32>
    %mul3A_142 = arith.mulf %convert_element_type3A_102, %convert_element_type3A_132 : vector<1x1920xf32>
    %mul3A_143 = arith.mulf %convert_element_type3A_104, %convert_element_type3A_134 : vector<1x1920xf32>
    %add3A_144 = arith.addf %mul3A_142, %mul3A_143 : vector<1x1920xf32>
    %mul3A_145 = arith.mulf %convert_element_type3A_106, %convert_element_type3A_136 : vector<1x1920xf32>
    %add3A_146 = arith.addf %add3A_144, %mul3A_145 : vector<1x1920xf32>
    %mul3A_147 = arith.mulf %convert_element_type3A_108, %convert_element_type3A_132 : vector<1x1920xf32>
    %mul3A_148 = arith.mulf %convert_element_type3A_110, %convert_element_type3A_134 : vector<1x1920xf32>
    %add3A_149 = arith.addf %mul3A_147, %mul3A_148 : vector<1x1920xf32>
    %mul3A_150 = arith.mulf %convert_element_type3A_112, %convert_element_type3A_136 : vector<1x1920xf32>
    %add3A_151 = arith.addf %add3A_149, %mul3A_150 : vector<1x1920xf32>
    %mul3A_152 = arith.mulf %add3A_141, %add3A_141 : vector<1x1920xf32>
    %mul3A_153 = arith.mulf %add3A_146, %add3A_146 : vector<1x1920xf32>
    %add3A_154 = arith.addf %mul3A_152, %mul3A_153 : vector<1x1920xf32>
    %mul3A_155 = arith.mulf %add3A_151, %add3A_151 : vector<1x1920xf32>
    %add3A_156 = arith.addf %add3A_154, %mul3A_155 : vector<1x1920xf32>
    %sqrt3A_157 = math.sqrt %add3A_156 : vector<1x1920xf32>
    %max3A = arith.constant 9.99999996E-13 : f32
    %max3A_158 = vector.broadcast %max3A : f32 to vector<1x1920xf32>
    %max3A_159 = arith.maximumf %sqrt3A_157, %max3A_158 : vector<1x1920xf32>
    %div3A_160 = arith.divf %add3A_141, %max3A_159 : vector<1x1920xf32>
    %div3A_161 = arith.divf %add3A_146, %max3A_159 : vector<1x1920xf32>
    %div3A_162 = arith.divf %add3A_151, %max3A_159 : vector<1x1920xf32>
    %mul3A_163 = arith.mulf %convert_element_type3A_96, %convert_element_type3A_114 : vector<1x1920xf32>
    %mul3A_164 = arith.mulf %convert_element_type3A_102, %convert_element_type3A_120 : vector<1x1920xf32>
    %add3A_165 = arith.addf %mul3A_163, %mul3A_164 : vector<1x1920xf32>
    %mul3A_166 = arith.mulf %convert_element_type3A_108, %convert_element_type3A_126 : vector<1x1920xf32>
    %add3A_167 = arith.addf %add3A_165, %mul3A_166 : vector<1x1920xf32>
    %mul3A_168 = arith.mulf %convert_element_type3A_96, %convert_element_type3A_116 : vector<1x1920xf32>
    %mul3A_169 = arith.mulf %convert_element_type3A_102, %convert_element_type3A_122 : vector<1x1920xf32>
    %add3A_170 = arith.addf %mul3A_168, %mul3A_169 : vector<1x1920xf32>
    %mul3A_171 = arith.mulf %convert_element_type3A_108, %convert_element_type3A_128 : vector<1x1920xf32>
    %add3A_172 = arith.addf %add3A_170, %mul3A_171 : vector<1x1920xf32>
    %mul3A_173 = arith.mulf %convert_element_type3A_96, %convert_element_type3A_118 : vector<1x1920xf32>
    %mul3A_174 = arith.mulf %convert_element_type3A_102, %convert_element_type3A_124 : vector<1x1920xf32>
    %add3A_175 = arith.addf %mul3A_173, %mul3A_174 : vector<1x1920xf32>
    %mul3A_176 = arith.mulf %convert_element_type3A_108, %convert_element_type3A_130 : vector<1x1920xf32>
    %add3A_177 = arith.addf %add3A_175, %mul3A_176 : vector<1x1920xf32>
    %mul3A_178 = arith.mulf %convert_element_type3A_98, %convert_element_type3A_114 : vector<1x1920xf32>
    %mul3A_179 = arith.mulf %convert_element_type3A_104, %convert_element_type3A_120 : vector<1x1920xf32>
    %add3A_180 = arith.addf %mul3A_178, %mul3A_179 : vector<1x1920xf32>
    %mul3A_181 = arith.mulf %convert_element_type3A_110, %convert_element_type3A_126 : vector<1x1920xf32>
    %add3A_182 = arith.addf %add3A_180, %mul3A_181 : vector<1x1920xf32>
    %mul3A_183 = arith.mulf %convert_element_type3A_98, %convert_element_type3A_116 : vector<1x1920xf32>
    %mul3A_184 = arith.mulf %convert_element_type3A_104, %convert_element_type3A_122 : vector<1x1920xf32>
    %add3A_185 = arith.addf %mul3A_183, %mul3A_184 : vector<1x1920xf32>
    %mul3A_186 = arith.mulf %convert_element_type3A_110, %convert_element_type3A_128 : vector<1x1920xf32>
    %add3A_187 = arith.addf %add3A_185, %mul3A_186 : vector<1x1920xf32>
    %mul3A_188 = arith.mulf %convert_element_type3A_98, %convert_element_type3A_118 : vector<1x1920xf32>
    %mul3A_189 = arith.mulf %convert_element_type3A_104, %convert_element_type3A_124 : vector<1x1920xf32>
    %add3A_190 = arith.addf %mul3A_188, %mul3A_189 : vector<1x1920xf32>
    %mul3A_191 = arith.mulf %convert_element_type3A_110, %convert_element_type3A_130 : vector<1x1920xf32>
    %add3A_192 = arith.addf %add3A_190, %mul3A_191 : vector<1x1920xf32>
    %mul3A_193 = arith.mulf %convert_element_type3A_100, %convert_element_type3A_114 : vector<1x1920xf32>
    %mul3A_194 = arith.mulf %convert_element_type3A_106, %convert_element_type3A_120 : vector<1x1920xf32>
    %add3A_195 = arith.addf %mul3A_193, %mul3A_194 : vector<1x1920xf32>
    %mul3A_196 = arith.mulf %convert_element_type3A_112, %convert_element_type3A_126 : vector<1x1920xf32>
    %add3A_197 = arith.addf %add3A_195, %mul3A_196 : vector<1x1920xf32>
    %mul3A_198 = arith.mulf %convert_element_type3A_100, %convert_element_type3A_116 : vector<1x1920xf32>
    %mul3A_199 = arith.mulf %convert_element_type3A_106, %convert_element_type3A_122 : vector<1x1920xf32>
    %add3A_200 = arith.addf %mul3A_198, %mul3A_199 : vector<1x1920xf32>
    %mul3A_201 = arith.mulf %convert_element_type3A_112, %convert_element_type3A_128 : vector<1x1920xf32>
    %add3A_202 = arith.addf %add3A_200, %mul3A_201 : vector<1x1920xf32>
    %mul3A_203 = arith.mulf %convert_element_type3A_100, %convert_element_type3A_118 : vector<1x1920xf32>
    %mul3A_204 = arith.mulf %convert_element_type3A_106, %convert_element_type3A_124 : vector<1x1920xf32>
    %add3A_205 = arith.addf %mul3A_203, %mul3A_204 : vector<1x1920xf32>
    %mul3A_206 = arith.mulf %convert_element_type3A_112, %convert_element_type3A_130 : vector<1x1920xf32>
    %add3A_207 = arith.addf %add3A_205, %mul3A_206 : vector<1x1920xf32>
    %sub3A_208 = arith.subf %add3A_167, %add3A_187 : vector<1x1920xf32>
    %sub3A_209 = arith.subf %sub3A_208, %add3A_207 : vector<1x1920xf32>
    %neg3A_210 = arith.constant 0.000000e+00 : f32
    %neg3A_211 = vector.broadcast %neg3A_210 : f32 to vector<1x1920xf32>
    %neg3A_212 = arith.subf %neg3A_211, %add3A_167 : vector<1x1920xf32>
    %add3A_213 = arith.addf %neg3A_212, %add3A_187 : vector<1x1920xf32>
    %sub3A_214 = arith.subf %add3A_213, %add3A_207 : vector<1x1920xf32>
    %neg3A_215 = arith.constant 0.000000e+00 : f32
    %neg3A_216 = vector.broadcast %neg3A_215 : f32 to vector<1x1920xf32>
    %neg3A_217 = arith.subf %neg3A_216, %add3A_167 : vector<1x1920xf32>
    %sub3A_218 = arith.subf %neg3A_217, %add3A_187 : vector<1x1920xf32>
    %add3A_219 = arith.addf %sub3A_218, %add3A_207 : vector<1x1920xf32>
    %add3A_220 = arith.constant 1.000000e+00 : f32
    %add3A_221 = vector.broadcast %add3A_220 : f32 to vector<1x1920xf32>
    %add3A_222 = arith.addf %add3A_221, %sub3A_209 : vector<1x1920xf32>
    %abs3A = math.absf %add3A_222 : vector<1x1920xf32>
    %sqrt3A_223 = math.sqrt %abs3A : vector<1x1920xf32>
    %mul3A_224 = arith.constant 5.000000e-01 : f32
    %mul3A_225 = vector.broadcast %mul3A_224 : f32 to vector<1x1920xf32>
    %mul3A_226 = arith.mulf %mul3A_225, %sqrt3A_223 : vector<1x1920xf32>
    %add3A_227 = arith.constant 1.000000e+00 : f32
    %add3A_228 = vector.broadcast %add3A_227 : f32 to vector<1x1920xf32>
    %add3A_229 = arith.addf %add3A_228, %sub3A_214 : vector<1x1920xf32>
    %abs3A_230 = math.absf %add3A_229 : vector<1x1920xf32>
    %sqrt3A_231 = math.sqrt %abs3A_230 : vector<1x1920xf32>
    %mul3A_232 = arith.constant 5.000000e-01 : f32
    %mul3A_233 = vector.broadcast %mul3A_232 : f32 to vector<1x1920xf32>
    %mul3A_234 = arith.mulf %mul3A_233, %sqrt3A_231 : vector<1x1920xf32>
    %add3A_235 = arith.constant 1.000000e+00 : f32
    %add3A_236 = vector.broadcast %add3A_235 : f32 to vector<1x1920xf32>
    %add3A_237 = arith.addf %add3A_236, %add3A_219 : vector<1x1920xf32>
    %abs3A_238 = math.absf %add3A_237 : vector<1x1920xf32>
    %sqrt3A_239 = math.sqrt %abs3A_238 : vector<1x1920xf32>
    %mul3A_240 = arith.constant 5.000000e-01 : f32
    %mul3A_241 = vector.broadcast %mul3A_240 : f32 to vector<1x1920xf32>
    %mul3A_242 = arith.mulf %mul3A_241, %sqrt3A_239 : vector<1x1920xf32>
    %sub3A_243 = arith.subf %add3A_202, %add3A_192 : vector<1x1920xf32>
    %sign3A_244 = tpu.bitcast %sub3A_243 : vector<1x1920xf32> -> vector<1x1920xi32>
    %sign3A_245 = arith.constant -2147483648 : i32
    %sign3A_246 = vector.broadcast %sign3A_245 : i32 to vector<1x1920xi32>
    %sign3A_247 = arith.andi %sign3A_244, %sign3A_246 : vector<1x1920xi32>
    %sign3A_248 = arith.constant 1065353216 : i32
    %sign3A_249 = vector.broadcast %sign3A_248 : i32 to vector<1x1920xi32>
    %sign3A_250 = arith.ori %sign3A_249, %sign3A_247 : vector<1x1920xi32>
    %sign3A_251 = tpu.bitcast %sign3A_250 : vector<1x1920xi32> -> vector<1x1920xf32>
    %sign3A_252 = math.absf %sub3A_243 : vector<1x1920xf32>
    %sign3A_253 = arith.constant 0.000000e+00 : f32
    %sign3A_254 = vector.broadcast %sign3A_253 : f32 to vector<1x1920xf32>
    %sign3A_255 = arith.cmpf ogt, %sign3A_252, %sign3A_254 : vector<1x1920xf32>
    %sign3A_256 = arith.select %sign3A_255, %sign3A_251, %sub3A_243 : vector<1x1920xi1>, vector<1x1920xf32>
    %sub3A_257 = arith.subf %add3A_177, %add3A_197 : vector<1x1920xf32>
    %sign3A_258 = tpu.bitcast %sub3A_257 : vector<1x1920xf32> -> vector<1x1920xi32>
    %sign3A_259 = arith.constant -2147483648 : i32
    %sign3A_260 = vector.broadcast %sign3A_259 : i32 to vector<1x1920xi32>
    %sign3A_261 = arith.andi %sign3A_258, %sign3A_260 : vector<1x1920xi32>
    %sign3A_262 = arith.constant 1065353216 : i32
    %sign3A_263 = vector.broadcast %sign3A_262 : i32 to vector<1x1920xi32>
    %sign3A_264 = arith.ori %sign3A_263, %sign3A_261 : vector<1x1920xi32>
    %sign3A_265 = tpu.bitcast %sign3A_264 : vector<1x1920xi32> -> vector<1x1920xf32>
    %sign3A_266 = math.absf %sub3A_257 : vector<1x1920xf32>
    %sign3A_267 = arith.constant 0.000000e+00 : f32
    %sign3A_268 = vector.broadcast %sign3A_267 : f32 to vector<1x1920xf32>
    %sign3A_269 = arith.cmpf ogt, %sign3A_266, %sign3A_268 : vector<1x1920xf32>
    %sign3A_270 = arith.select %sign3A_269, %sign3A_265, %sub3A_257 : vector<1x1920xi1>, vector<1x1920xf32>
    %sub3A_271 = arith.subf %add3A_182, %add3A_172 : vector<1x1920xf32>
    %sign3A_272 = tpu.bitcast %sub3A_271 : vector<1x1920xf32> -> vector<1x1920xi32>
    %sign3A_273 = arith.constant -2147483648 : i32
    %sign3A_274 = vector.broadcast %sign3A_273 : i32 to vector<1x1920xi32>
    %sign3A_275 = arith.andi %sign3A_272, %sign3A_274 : vector<1x1920xi32>
    %sign3A_276 = arith.constant 1065353216 : i32
    %sign3A_277 = vector.broadcast %sign3A_276 : i32 to vector<1x1920xi32>
    %sign3A_278 = arith.ori %sign3A_277, %sign3A_275 : vector<1x1920xi32>
    %sign3A_279 = tpu.bitcast %sign3A_278 : vector<1x1920xi32> -> vector<1x1920xf32>
    %sign3A_280 = math.absf %sub3A_271 : vector<1x1920xf32>
    %sign3A_281 = arith.constant 0.000000e+00 : f32
    %sign3A_282 = vector.broadcast %sign3A_281 : f32 to vector<1x1920xf32>
    %sign3A_283 = arith.cmpf ogt, %sign3A_280, %sign3A_282 : vector<1x1920xf32>
    %sign3A_284 = arith.select %sign3A_283, %sign3A_279, %sub3A_271 : vector<1x1920xi1>, vector<1x1920xf32>
    %mul3A_285 = arith.mulf %sign3A_256, %mul3A_226 : vector<1x1920xf32>
    %mul3A_286 = arith.mulf %sign3A_270, %mul3A_234 : vector<1x1920xf32>
    %mul3A_287 = arith.mulf %sign3A_284, %mul3A_242 : vector<1x1920xf32>
    %add3A_288 = arith.constant 1.000000e+00 : f32
    %add3A_289 = vector.broadcast %add3A_288 : f32 to vector<1x1920xf32>
    %add3A_290 = arith.addf %add3A_289, %add3A_167 : vector<1x1920xf32>
    %add3A_291 = arith.addf %add3A_290, %add3A_187 : vector<1x1920xf32>
    %add3A_292 = arith.addf %add3A_291, %add3A_207 : vector<1x1920xf32>
    %max3A_293 = arith.constant 0.000000e+00 : f32
    %max3A_294 = vector.broadcast %max3A_293 : f32 to vector<1x1920xf32>
    %max3A_295 = arith.maximumf %add3A_292, %max3A_294 : vector<1x1920xf32>
    %sqrt3A_296 = math.sqrt %max3A_295 : vector<1x1920xf32>
    %div3A_297 = arith.constant 2.000000e+00 : f32
    %div3A_298 = vector.broadcast %div3A_297 : f32 to vector<1x1920xf32>
    %div3A_299 = arith.divf %sqrt3A_296, %div3A_298 : vector<1x1920xf32>
    %mul3A_300 = arith.mulf %mul3A_285, %mul3A_285 : vector<1x1920xf32>
    %mul3A_301 = arith.mulf %mul3A_286, %mul3A_286 : vector<1x1920xf32>
    %add3A_302 = arith.addf %mul3A_300, %mul3A_301 : vector<1x1920xf32>
    %mul3A_303 = arith.mulf %mul3A_287, %mul3A_287 : vector<1x1920xf32>
    %add3A_304 = arith.addf %add3A_302, %mul3A_303 : vector<1x1920xf32>
    %mul3A_305 = arith.mulf %div3A_299, %div3A_299 : vector<1x1920xf32>
    %add3A_306 = arith.addf %add3A_304, %mul3A_305 : vector<1x1920xf32>
    %sqrt3A_307 = math.sqrt %add3A_306 : vector<1x1920xf32>
    %max3A_308 = arith.constant 9.99999996E-13 : f32
    %max3A_309 = vector.broadcast %max3A_308 : f32 to vector<1x1920xf32>
    %max3A_310 = arith.maximumf %sqrt3A_307, %max3A_309 : vector<1x1920xf32>
    %div3A_311 = arith.divf %mul3A_285, %max3A_310 : vector<1x1920xf32>
    %div3A_312 = arith.divf %mul3A_286, %max3A_310 : vector<1x1920xf32>
    %div3A_313 = arith.divf %mul3A_287, %max3A_310 : vector<1x1920xf32>
    %div3A_314 = arith.divf %div3A_299, %max3A_310 : vector<1x1920xf32>
    %broadcast_in_dim3A = arith.constant 0.000000e+00 : f32
    %broadcast_in_dim3A_315 = vector.broadcast %broadcast_in_dim3A : f32 to vector<9x1920xf32>
    %concatenate3A = tpu.concatenate %cos3A, %sin3A, %exp3A_91, %div3A_160, %div3A_161, %div3A_162, %div3A_311, %div3A_312, %div3A_313, %div3A_314, %broadcast_in_dim3A_315 in 0 : vector<8x1920xf32>, vector<8x1920xf32>, vector<16x1920xf32>, vector<1x1920xf32>, vector<1x1920xf32>, vector<1x1920xf32>, vector<1x1920xf32>, vector<1x1920xf32>, vector<1x1920xf32>, vector<1x1920xf32>, vector<9x1920xf32> -> vector<48x1920xf32>
    %get3A_316 = arith.constant 0 : index
    %get3A_317 = arith.constant 0 : index
    %get3A_318 = vector.load %arg4[%get3A_316, %get3A_317] : memref<48x128xf32, #tpu.memory_space<vmem>>, vector<48x128xf32>
    %dot_general3A = arith.constant dense<0.000000e+00> : vector<1920x128xf32>
    %dot_general3A_319 = tpu.matmul %concatenate3A, %get3A_318, %dot_general3A {dimension_numbers = #tpu.dot_dimension_numbers<[0], [0], [1], [1], [0, 1, 1, 1], [], []>, transpose_lhs_hint = false} : vector<48x1920xf32>, vector<48x128xf32>, vector<1920x128xf32> -> vector<1920x128xf32>
    %get3A_320 = arith.constant 0 : index
    %get3A_321 = arith.constant 0 : index
    %get3A_322 = vector.load %arg5[%get3A_320, %get3A_321] : memref<3x128xf32, #tpu.memory_space<vmem>>, vector<1x128xf32>
    %add3A_323 = vector.broadcast %get3A_322 : vector<1x128xf32> to vector<1920x128xf32>
    %add3A_324 = arith.addf %dot_general3A_319, %add3A_323 : vector<1920x128xf32>
    %reduce_sum3A = arith.constant dense<0.000000e+00> : vector<1920xf32>
    %reduce_sum3A_325 = vector.multi_reduction <add>, %add3A_324, %reduce_sum3A [1] : vector<1920x128xf32> to vector<1920xf32>
    %broadcast_in_dim3A_326 = vector.shape_cast %reduce_sum3A_325 : vector<1920xf32> to vector<1920x1xf32>
    %div3A_327 = arith.constant 1.280000e+02 : f32
    %div3A_328 = vector.broadcast %div3A_327 : f32 to vector<1920x1xf32>
    %div3A_329 = arith.divf %broadcast_in_dim3A_326, %div3A_328 : vector<1920x1xf32>
    %sub3A_330 = vector.broadcast %div3A_329 : vector<1920x1xf32> to vector<1920x128xf32>
    %sub3A_331 = arith.subf %add3A_324, %sub3A_330 : vector<1920x128xf32>
    %mul3A_332 = arith.mulf %sub3A_331, %sub3A_331 : vector<1920x128xf32>
    %reduce_sum3A_333 = arith.constant dense<0.000000e+00> : vector<1920xf32>
    %reduce_sum3A_334 = vector.multi_reduction <add>, %mul3A_332, %reduce_sum3A_333 [1] : vector<1920x128xf32> to vector<1920xf32>
    %broadcast_in_dim3A_335 = vector.shape_cast %reduce_sum3A_334 : vector<1920xf32> to vector<1920x1xf32>
    %div3A_336 = arith.constant 1.270000e+02 : f32
    %div3A_337 = vector.broadcast %div3A_336 : f32 to vector<1920x1xf32>
    %div3A_338 = arith.divf %broadcast_in_dim3A_335, %div3A_337 : vector<1920x1xf32>
    %add3A_339 = arith.constant 9.99999997E-7 : f32
    %add3A_340 = vector.broadcast %add3A_339 : f32 to vector<1920x1xf32>
    %add3A_341 = arith.addf %div3A_338, %add3A_340 : vector<1920x1xf32>
    %sqrt3A_342 = math.sqrt %add3A_341 : vector<1920x1xf32>
    %get3A_343 = arith.constant 1 : index
    %get3A_344 = arith.constant 0 : index
    %get3A_345 = vector.load %arg5[%get3A_343, %get3A_344] : memref<3x128xf32, #tpu.memory_space<vmem>>, vector<1x128xf32>
    %mul3A_346 = vector.broadcast %get3A_345 : vector<1x128xf32> to vector<1920x128xf32>
    %mul3A_347 = arith.mulf %mul3A_346, %sub3A_331 : vector<1920x128xf32>
    %div3A_348 = vector.broadcast %sqrt3A_342 : vector<1920x1xf32> to vector<1920x128xf32>
    %div3A_349 = arith.divf %mul3A_347, %div3A_348 : vector<1920x128xf32>
    %get3A_350 = arith.constant 2 : index
    %get3A_351 = arith.constant 0 : index
    %get3A_352 = vector.load %arg5[%get3A_350, %get3A_351] : memref<3x128xf32, #tpu.memory_space<vmem>>, vector<1x128xf32>
    %add3A_353 = vector.broadcast %get3A_352 : vector<1x128xf32> to vector<1920x128xf32>
    %add3A_354 = arith.addf %div3A_349, %add3A_353 : vector<1920x128xf32>
    %reshape3A = vector.shape_cast %add3A_354 : vector<1920x128xf32> to vector<64x30x128xf32>
    %swap3A = arith.constant 0 : index
    %swap3A_355 = arith.constant 0 : index
    %swap3A_356 = arith.constant 0 : index
    %swap3A_357 = arith.constant 0 : index
    %swap3A_358 = vector.load %arg6[%swap3A, %swap3A_355, %swap3A_356, %swap3A_357] : memref<1x64x30x128xf32, #tpu.memory_space<vmem>>, vector<1x64x30x128xf32>
    %swap3A_359 = vector.shape_cast %swap3A_358 : vector<1x64x30x128xf32> to vector<64x30x128xf32>
    %swap3A_360 = vector.shape_cast %reshape3A : vector<64x30x128xf32> to vector<1x64x30x128xf32>
    tpu.vector_store %arg6[%swap3A, %swap3A_355, %swap3A_356, %swap3A_357], %swap3A_360 {strides = array<i32>} : memref<1x64x30x128xf32, #tpu.memory_space<vmem>>, vector<1x64x30x128xf32>,
    return
  }
  func.func @transform_0(%arg0: i32, %arg1: i32) -> (i32, i32, i32) {
    %c0_i32 = arith.constant 0 : i32
    %c0_i32_0 = arith.constant 0 : i32
    return %arg0, %c0_i32, %arg1 : i32, i32, i32
  }
  func.func @transform_1(%arg0: i32, %arg1: i32) -> (i32, i32, i32) {
    %c0_i32 = arith.constant 0 : i32
    %c0_i32_0 = arith.constant 0 : i32
    return %arg0, %c0_i32, %arg1 : i32, i32, i32
  }
  func.func @transform_2(%arg0: i32, %arg1: i32) -> (i32, i32) {
    %c0_i32 = arith.constant 0 : i32
    %c0_i32_0 = arith.constant 0 : i32
    %c0_i32_1 = arith.constant 0 : i32
    return %c0_i32, %c0_i32_0 : i32, i32
  }
  func.func @transform_3(%arg0: i32, %arg1: i32) -> (i32, i32) {
    %c0_i32 = arith.constant 0 : i32
    %c0_i32_0 = arith.constant 0 : i32
    %c0_i32_1 = arith.constant 0 : i32
    return %c0_i32, %c0_i32_0 : i32, i32
  }
  func.func @transform_4(%arg0: i32, %arg1: i32) -> (i32, i32, i32, i32) {
    %c0_i32 = arith.constant 0 : i32
    %c0_i32_0 = arith.constant 0 : i32
    %c0_i32_1 = arith.constant 0 : i32
    return %arg0, %arg1, %c0_i32, %c0_i32_0 : i32, i32, i32, i32
  }
}

</mosaic_0001>

<sc_bundles>
// kernel: kernel.6.cloned.1.call-start
scs
__scs_entry_jumppad:
0x0: {  	(pc) =	sbr.rel $0x88, $3  }
0x1: {  	(tag) =	ssettag $0x0;
	lr =	simm.s32 $0x1  }
0x2: {  	[smem:$0x3F9C] =	sst lr;
	_ =	strace $0xD0000000  }
0x3: {  	_ = 	snop  }
0x4: {  	_ = 	snop  }
0x5: {  	_ = 	snop  }
0x6: {  	_ = 	snop  }
0x7: {  	_ = 	snop  }
__scs_overlays_trampoline_lowered:
0x8: {  	[smem:$0x3FAB] =	sst s0  }
0x9: {  	[smem:$0x3FAC] =	sst s1  }
0xa: {  	[smem:$0x3FAD] =	sst s2  }
0xb: {  	[smem:$0x3FAE] =	sst s3  }
0xc: {  	[smem:$0x3FAF] =	sst s4  }
0xd: {  	[smem:$0x3FB0] =	sst s5  }
0xe: {  	[smem:$0x3FB1] =	sst s6  }
0xf: {  	[smem:$0x3FB2] =	sst s7  }
0x10: {  	[smem:$0x3FB3] =	sst s8  }
0x11: {  	[smem:$0x3FB4] =	sst s9;
	s0 =	simm.s32 @!p0 $0x0  }
0x12: {  	s1 =	sld [smem:$0x3F9A];
	s0 =	simm.s32 @p0 $0x1  }
0x13: {  	[smem:$0x3FB5] =	sst s0;
	s0 =	simm.s32 @!p1 $0x0  }
0x14: {  	s2 =	sld [smem:$0x3F99];
	s0 =	simm.s32 @p1 $0x1  }
0x15: {  	[smem:$0x3FB6] =	sst s0;
	s0 =	simm.s32 @!p2 $0x0  }
0x16: {  	s3 =	sld [smem:$0x3FDB];
	s0 =	simm.s32 @p2 $0x1  }
0x17: {  	s4 =	simm.s32 $0x1BF5;
	[smem:$0x3FB8] =	sst s0  }
0x18: {  	s0 =	sld [smem:$0x3F9B];
	_ =	swait.ge [sflag:s4], $0x0  }
0x19: {  	s7 =	sld [smem:$0x3F9C]  }
0x1a: {  	s8 =	sadd.s32 $0xFFFFE003, lr  }
0x1b: {  	s9 =	sadd.s32 $0xFFFFFEF7, lr;
	s5 =	simm.s32 $0xFFFFFFFF;
	p2 =	slt.u32 s8, $0xFFFFF086  }
0x1c: {  	p1 =	slt.u32 s9, $0xF7A;
	s5 =	simm.s32 @!p2 $0x0  }
0x1d: {  	s5 =	simm.s32 @p1 $0x1;
	p0 =	seq.s32 s7, s2  }
0x1e: {  	s7 =	smul.u32 @!p0 $0xF7A, s2;
	p2 =	seq.s32 @!p0 s5, $0x0  }
0x1f: {  	s9 =	smul.u32 $0xF7A, s1;
	s8 =	simm.s32 @!p0 $0x1BF5;
	p2 =	por !p2, p0  }
0x20: {  	[sflag:s8] =	ssyncset.s32 @!p0 $0xFFFFF086;
	s6 =	sadd.s32 @!p0 s3, s7;
	s7 =	simm.s32 @!p0 $0x108  }
0x21: {  	s3 =	sadd.s32 s3, s9;
	s6 =	sadd.s32 @!p0 $0x88, s6;
	s7 =	simm.s32 @p2 $0x1082  }
0x22: {  	[simem:s7], [sflag:s8] =	dma.local @!p0 [hbm:s6], $0xF7A  }
0x23: {  	s9 =	sor.u32 $0xD0000000, s2;
	s6 =	simm.s32 $0x108;
	_ =	swait.ge @!p0 [sflag:s8], $0x0  }
0x24: {  	s3 =	sadd.s32 $0x88, s3;
	s6 =	simm.s32 @!p1 $0x1082;
	[sflag:s4] =	ssyncset.s32 $0xFFFFF086  }
0x25: {  	[simem:s6], [sflag:s4] =	dma.local [hbm:s3], $0xF7A  }
0x26: {  	[smem:$0x3F9C] =	sst s1;
	(tag) =	ssettag s2;
	_ =	strace s9  }
0x27: {  	s1 =	sld [smem:$0x3FAC]  }
0x28: {  	s2 =	sld [smem:$0x3FAD]  }
0x29: {  	s4 =	sld [smem:$0x3FAF]  }
0x2a: {  	p0 =	seq.s32 s5, $0x0;
	s5 =	sld [smem:$0x3FB0]  }
0x2b: {  	s6 =	sld [smem:$0x3FB1]  }
0x2c: {  	s7 =	sld [smem:$0x3FB2]  }
0x2d: {  	s3 =	simm.s32 $0x108;
	s8 =	sld [smem:$0x3FB3]  }
0x2e: {  	s3 =	simm.s32 @!p0 $0x1082;
	s9 =	sld [smem:$0x3FB4]  }
0x2f: {  	lr =	sadd.s32 s0, s3;
	s0 =	sld [smem:$0x3FAB]  }
0x30: {  	s3 =	sld [smem:$0x3FAE]  }
0x31: {  	[smem:$0x3FB7] =	sst s10  }
0x32: {  	s10 =	sld [smem:$0x3FB5];
	_ =	sdelay $0x3  }
0x33: {  	p0 =	seq.s32 s10, $0x1;
	s10 =	sld [smem:$0x3FB7];
	_ =	sdelay $0x3  }
0x34: {  	[smem:$0x3FB7] =	sst s10  }
0x35: {  	s10 =	sld [smem:$0x3FB6];
	_ =	sdelay $0x3  }
0x36: {  	p1 =	seq.s32 s10, $0x1;
	s10 =	sld [smem:$0x3FB7];
	_ =	sdelay $0x3  }
0x37: {  	[smem:$0x3FB7] =	sst s10  }
0x38: {  	s10 =	sld [smem:$0x3FB8]  }
0x39: {  	_ = 	snop;
	(pc) =	sbr.ind lr, $3  }
0x3a: {  	_ = 	snop  }
0x3b: {  	_ = 	snop  }
0x3c: {  	p2 =	seq.s32 s10, $0x1;
	s10 =	sld [smem:$0x3FB7]  }
0x3d: {  	_ =	shalt  }
0x3e: {  	_ =	shalt  }
0x3f: {  	_ =	shalt  }
0x40: {  	_ =	shalt  }
0x41: {  	_ =	shalt  }
0x42: {  	_ =	shalt  }
0x43: {  	_ =	shalt  }
0x44: {  	_ =	shalt  }
0x45: {  	_ =	shalt  }
0x46: {  	_ =	shalt  }
0x47: {  	_ =	shalt  }
0x48: {  	_ =	shalt  }
0x49: {  	_ =	shalt  }
0x4a: {  	_ =	shalt  }
0x4b: {  	_ =	shalt  }
0x4c: {  	_ =	shalt  }
0x4d: {  	_ =	shalt  }
0x4e: {  	_ =	shalt  }
0x4f: {  	_ =	shalt  }
0x50: {  	_ =	shalt  }
0x51: {  	_ =	shalt  }
0x52: {  	_ =	shalt  }
0x53: {  	_ =	shalt  }
0x54: {  	_ =	shalt  }
0x55: {  	_ =	shalt  }
0x56: {  	_ =	shalt  }
0x57: {  	_ =	shalt  }
0x58: {  	_ =	shalt  }
0x59: {  	_ =	shalt  }
0x5a: {  	_ =	shalt  }
0x5b: {  	_ =	shalt  }
0x5c: {  	_ =	shalt  }
0x5d: {  	_ =	shalt  }
0x5e: {  	_ =	shalt  }
0x5f: {  	_ =	shalt  }
0x60: {  	_ =	shalt  }
0x61: {  	_ =	shalt  }
0x62: {  	_ =	shalt  }
0x63: {  	_ =	shalt  }
0x64: {  	_ =	shalt  }
0x65: {  	_ =	shalt  }
0x66: {  	_ =	shalt  }
0x67: {  	_ =	shalt  }
0x68: {  	_ =	shalt  }
0x69: {  	_ =	shalt  }
0x6a: {  	_ =	shalt  }
0x6b: {  	_ =	shalt  }
0x6c: {  	_ =	shalt  }
0x6d: {  	_ =	shalt  }
0x6e: {  	_ =	shalt  }
0x6f: {  	_ =	shalt  }
0x70: {  	_ =	shalt  }
0x71: {  	_ =	shalt  }
0x72: {  	_ =	shalt  }
0x73: {  	_ =	shalt  }
0x74: {  	_ =	shalt  }
0x75: {  	_ =	shalt  }
0x76: {  	_ =	shalt  }
0x77: {  	_ =	shalt  }
0x78: {  	_ =	shalt  }
0x79: {  	_ =	shalt  }
0x7a: {  	_ =	shalt  }
0x7b: {  	_ =	shalt  }
0x7c: {  	_ =	shalt  }
0x7d: {  	_ =	shalt  }
0x7e: {  	_ =	shalt  }
0x7f: {  	_ =	shalt  }
0x80: {  	_ =	shalt  }
0x81: {  	_ =	shalt  }
0x82: {  	_ =	shalt  }
0x83: {  	_ =	shalt  }
0x84: {  	_ =	shalt  }
0x85: {  	_ =	shalt  }
0x86: {  	_ =	shalt  }
0x87: {  	_ =	shalt  }
.Lfunc_end0:
.L_simem_size_0:
called_computation_lowered:
.L_overlay_start_0:
0x88: {  	s2 =	sld [smem:$0x3FD9]  }
0x89: {  	s3 =	sld [smem:$0x3FFE];
	_ =	sdelay $0x1  }
0x8a: {  	s1 =	srdreg.scid  }
0x8b: {  	s0 =	sand.u32 $0x1, s1  }
0x8c: {  	s14 =	sshll.u32 s0, $0xA;
	s2 =	sadd.s32 s3, s2  }
0x8d: {  	s2 =	sadd.s32 s2, s14  }
0x8e: {  	[smem:$0x3FC3] =	sst s2  }
0x8f: {  	_ = 	snop  }
0x90: {  	s2 =	sld [smem:$0x3FD0];
	_ =	sdelay $0x2  }
0x91: {  	s15 =	simm.s32 $0xA;
	s4 =	simm.s32 $0x10  }
0x92: {  	[smem:s4], [sflag:s15] =	dma.local [hbm:s2], $0x1  }
0x93: {  	_ =	swait.eq [sflag:s15], $0x1  }
0x94: {  	[sflag:s15] =	ssyncset.done $0x0  }
0x95: {  	[sflag:s15] =	ssyncadd.s32 $0xFFFFFFFF  }
0x96: {  	s16 =	sld [smem:$0x10];
	(tm) =	ssettm $0x1  }
0x97: {  	s17 =	sld [smem:$0x3FFB];
	_ =	sdelay $0x3  }
0x98: {  	_ =	strace s17  }
0x99: {  	s3 =	sld [smem:$0x3FFC];
	_ =	sdelay $0x3  }
0x9a: {  	_ =	strace s3  }
0x9b: {  	s3 =	sld [smem:$0x3FFD];
	_ =	sdelay $0x3  }
0x9c: {  	_ =	strace s3  }
0x9d: {  	_ =	strace $0x8FFFFFFF  }
0x9e: {  	s18 =	sld [smem:$0x3FDB];
	_ =	sdelay $0x1  }
0x9f: {  	s19 =	simm.s32 $_scs_section_size  }
0xa0: {  	s5 =	simm.s32 $_size__tile_overlayer_lowered;
	s6 =	simm.s32 $_tile_overlayer_lowered  }
0xa1: {  	s22 =	simm.s32 $0x1BFF;
	s21 =	sshll.u32 s6, $0x1;
	s3 =	sadd.s32 s19, s18  }
0xa2: {  	s7 =	simm.s32 $0x0;
	s20 =	sshll.u32 s5, $0x1;
	s5 =	sadd.s32 s21, s3  }
0xa3: {  	[timem:s7], [sflag:s22] =	dma.local [hbm:s5], s20  }
0xa4: {  	_ =	swait.ge [sflag:s22], s20  }
0xa5: {  	s4 =	ssub.s32 $0x0, s20;
	[sflag:s22] =	ssyncset.done $0x0  }
0xa6: {  	[sflag:s22] =	ssyncadd.s32 s4;
	_ =	sdelay $0x1  }
0xa7: {  	s23 =	simm.s32 $0x1B8B  }
0xa8: {  	_ =	swait.ge [sflag:s23], $0x1  }
0xa9: {  	[sflag:s23] =	ssyncset.done $0x0  }
0xaa: {  	s25 =	simm.s32 $0x1B8E;
	s24 =	sld [smem:$0x3FFE];
	[sflag:s23] =	ssyncadd.s32 $0xFFFFFFFF  }
0xab: {  	s26 =	simm.s32 $execute0_lowered;
	[smem:$0x3FD2] =	sst s25  }
0xac: {  	s5 =	sshll.u32 s26, $0x1;
	_ =	strace $0x80000046;
	[dreg:$0x1] =	wrdreg $0xFFFFFFFF  }
0xad: {  	s28 =	simm.s32 $_size_execute0_lowered;
	s3 =	sadd.s32 s3, s5;
	[dreg:$0x0] =	wrdreg $0x0  }
0xae: {  	s5 =	sshll.u32 s28, $0x1;
	[dreg:$0x2] =	wrdreg s3  }
0xaf: {  	[dreg:$0x3] =	wrdreg s5  }
0xb0: {  	[dreg:$0x4] =	wrdreg $0xC0  }
0xb1: {  	_ =	task [dreg:s7], $0x5FFFF  }
0xb2: {  	[dreg:$0x1] =	wrdreg $0xFFFFFFFF  }
0xb3: {  	[dreg:$0x0] =	wrdreg $0x60  }
0xb4: {  	[dreg:$0x2] =	wrdreg s24  }
0xb5: {  	[dreg:$0x3] =	wrdreg s16  }
0xb6: {  	[dreg:$0x4] =	wrdreg $0x9  }
0xb7: {  	_ =	task.clear_ibuf [dreg:s7], $0x5FFFF;
	_ =	strace $0x90000046  }
0xb8: {  	s29 =	simm.s32 $0x9;
	_ =	strace $0x80000048  }
0xb9: {  	_ =	swait.ge [sflag:s29], $0x1  }
0xba: {  	[sflag:s29] =	ssyncadd.s32 $0xFFFFFFFF  }
0xbb: {  	_ =	strace $0x90000048  }
0xbc: {  	_ =	sfence  }
0xbd: {  	s30 =	sld [smem:$0x0];
	_ =	sdelay $0x2  }
0xbe: {  	s31 =	sshll.u32 s1, $0xD;
	s1 =	sshrl.u32 s1, $0x2  }
0xbf: {  	s3 =	sand.u32 $0x4000, s31;
	s1 =	sadd.s32 s1, s30  }
0xc0: {  	s0 =	sor.u32 s3, s0;
	s1 =	sshll.u32 s1, $0x11  }
0xc1: {  	s0 =	sor.u32 s1, s0  }
0xc2: {  	s0 =	sadd.s32 $0x8F2B, s0  }
0xc3: {  	[sflag:s0] =	ssyncadd.remote.s32 $0x1  }
0xc4: {  	_ =	sfence.sel $0xFFFF  }
0xc5: {  	[dreg:$0x0] =	wrdreg $0xFFFFFFFF;
	(pc) =	sbr.abs _section_cstart, $3  }
0xc6: {  	[dreg:$0x1] =	wrdreg $0xFFFFFFFF  }
0xc7: {  	_ =	task.clear_ibuf [dreg:s7], $0x2FFFF;
	_ =	strace $0x9FFFFFFF  }
0xc8: {  	(tm) =	ssettm $0x7FFFFFFF  }
0xc9: {  	_ =	shalt  }
tec
execute0_lowered:
.L_overlay_start_1:
0x0: {  	(tag) =	ssettag $0x1  }
0x1: {  	s6 =	rddreg [dreg:$0x0];
	s1 =	srdreg.scid  }
0x2: {  	s0 =	stileid.u32;
	s5 =	rddreg [dreg:$0x1];
	s2 =	simm.s32 $0x0  }
0x3: {  	s14 =	simm.s32 $0x3C00;
	s15 =	simm.s32 $0x78000;
	s16 =	simm.s32 $0x8780  }
0x4: {  	s17 =	simm.s32 $0x0;
	s7 =	sand.u32 $0x1, s1;
	s3 =	sshll.u32 s0, $0x1  }
0x5: {  	s1 =	rddreg [dreg:$0x2];
	s12 =	smul.u32 $0xF00, s0;
	s3 =	sor.u32 s7, s3  }
0x6: {  	[smem:$0x7FF] =	sst s2;
	s8 =	ssub.s32 $0x2, s7;
	s4 =	smul.u32 $0x1E0, s3  }
0x7: {  	_ =	strace $0x80000047;
	s9 =	smul.u32 $0x3C00, s3;
	s30 =	sshrl.u32 s8, $0x1  }
0x8: {  	s13 =	smul.u32 $0x780, s7;
	s3 =	sadd.s32 $0xE00, s6;
	s11 =	ssub.s32 s8, s30  }
0x9: {  	s10 =	sadd.s32 s4, s6;
	s31 =	sshrl.u32 s9, $0x3;
	s6 =	sadd.s32 $0x1E00, s6  }
0xa: {  	s9 =	smax.u32 s11, $0x1;
	s11 =	simm.s32 $0x1;
	s4 =	sadd.s32 $0x2E00, s10  }
0xb: {  	s5 =	sadd.s32 s5, s31;
	s7 =	sadd.s32 $0x2E10, s10;
	s10 =	sadd.s32 s13, s12  }
0xc: {  	v0 =	vlaneseq.u32;
	v1 =	vimm.s32 $0x0;
	s12 =	simm.s32 $0x80;
	s13 =	simm.s32 $0x100;
	s8 =	sadd.s32 $0x2D000, s5  }
.LBB2_1:
0xd: {  	[tilespmem:s2], [sflag:$0x1] =	stream.linear.gather [hbm4b:s3+s2], $0x8000, $0x38;
	[tilespmem:$0x13B80] =	vst v63  }
0xe: {  	_ =	swait.ge [sflag:s11], $0x8000  }
0xf: {  	[sflag:s11] =	ssyncset.done $0x0  }
0x10: {  	s18 =	simm.s32 $0x8000;
	[sflag:s11] =	ssyncadd.s32 $0xFFFF8000  }
0x11: {  	[tilespmem:s18], [sflag:$0x1] =	stream.strided.gather [hbm4b:s4+s12], $0x780, s13, s12, $0x38;
	[tilespmem:$0x13B80] =	vst v63  }
0x12: {  	s19 =	sadd.s32 $0x0, s10;
	_ =	swait.ge [sflag:s11], $0x780  }
0x13: {  	v2 =	vmov s19;
	[sflag:s11] =	ssyncset.done $0x0  }
0x14: {  	v2 =	vbroadcast v2, $0x0;
	[sflag:s11] =	ssyncadd.s32 $0xFFFFF880  }
0x15: {  	v3 =	vld [tilespmem:s18+$0x0]  }
0x16: {  	v4 =	vor.u32 v0, v2  }
0x17: {  	v5 =	vmulhi.u32 $0x88888889, v4;
	_ =	sdelay $0x1  }
0x18: {  	v5 =	vshrl.u32 v5, $0x4  }
0x19: {  	v7 =	vmul.u32 $0xFFFFFFE2, v5;
	v6 =	vshll.u32 v3, $0x3  }
0x1a: {  	v4 =	vsub.s32 $0x0, v4;
	v3 =	vand.u32 $0x7F, v3;
	v6 =	vand.u32 $0xFFFFFC00, v6  }
0x1b: {  	vm0 =	veq.s32 v2, v0;
	vm1 =	vne.s32 v7, v4;
	v3 =	vor.u32 v3, v6  }
0x1c: {  	vm0 =	vmand vm0, vm1  }
0x1d: {  	v2 =	vsel vm0, $0xFFFFFFFF, v1  }
0x1e: {  	v2 =	vadd.s32 v2, v5  }
0x1f: {  	v42 =	vshll.u32 v2, $0x3  }
0x20: {  	v2 =	vand.u32 $0x7F, v2;
	v4 =	vand.u32 $0xFFFFFC00, v42;
	v43 =	vld.idx.msk [tilespmem:v3+s2+$0x0], $0xffff  }
0x21: {  	v2 =	vor.u32 v2, v4;
	_ =	sdelay $0x1  }
0x22: {  	s29 =	sand.u32 $0x70, s2;
	s30 =	sand.u32 $0x3C00, s2  }
0x23: {  	s19 =	sor.u32 s29, s30  }
0x24: {  	[tilespmem:s19+$0x8780] =	vst v43  }
0x25: {  	v4 =	vld.idx.msk [tilespmem:v2+s2+$0x0], $0xffff  }
0x26: {  	v44 =	vor.u32 $0x80, v3;
	_ =	sdelay $0x3  }
0x27: {  	[tilespmem:s19+$0xC580] =	vst v4  }
0x28: {  	v4 =	vld.idx.msk [tilespmem:v44+s2+$0x0], $0xffff  }
0x29: {  	v45 =	vor.u32 $0x80, v2;
	_ =	sdelay $0x3  }
0x2a: {  	[tilespmem:s19+$0x8800] =	vst v4  }
0x2b: {  	v4 =	vld.idx.msk [tilespmem:v45+s2+$0x0], $0xffff  }
0x2c: {  	v46 =	vor.u32 $0x100, v3;
	_ =	sdelay $0x3  }
0x2d: {  	[tilespmem:s19+$0xC600] =	vst v4  }
0x2e: {  	v4 =	vld.idx.msk [tilespmem:v46+s2+$0x0], $0xffff  }
0x2f: {  	v47 =	vor.u32 $0x100, v2;
	_ =	sdelay $0x3  }
0x30: {  	[tilespmem:s19+$0x8880] =	vst v4  }
0x31: {  	v4 =	vld.idx.msk [tilespmem:v47+s2+$0x0], $0xffff  }
0x32: {  	v48 =	vor.u32 $0x180, v3;
	_ =	sdelay $0x3  }
0x33: {  	[tilespmem:s19+$0xC680] =	vst v4  }
0x34: {  	v4 =	vld.idx.msk [tilespmem:v48+s2+$0x0], $0xffff  }
0x35: {  	v49 =	vor.u32 $0x180, v2;
	_ =	sdelay $0x3  }
0x36: {  	[tilespmem:s19+$0x8900] =	vst v4  }
0x37: {  	v4 =	vld.idx.msk [tilespmem:v49+s2+$0x0], $0xffff  }
0x38: {  	v50 =	vor.u32 $0x200, v3;
	_ =	sdelay $0x3  }
0x39: {  	[tilespmem:s19+$0xC700] =	vst v4  }
0x3a: {  	v4 =	vld.idx.msk [tilespmem:v50+s2+$0x0], $0xffff  }
0x3b: {  	v51 =	vor.u32 $0x200, v2;
	_ =	sdelay $0x3  }
0x3c: {  	[tilespmem:s19+$0x8980] =	vst v4  }
0x3d: {  	v4 =	vld.idx.msk [tilespmem:v51+s2+$0x0], $0xffff  }
0x3e: {  	v52 =	vor.u32 $0x280, v3;
	_ =	sdelay $0x3  }
0x3f: {  	[tilespmem:s19+$0xFF80] =	vst v4  }
0x40: {  	v4 =	vld.idx.msk [tilespmem:v52+s2+$0x0], $0xffff  }
0x41: {  	v53 =	vor.u32 $0x280, v2;
	_ =	sdelay $0x3  }
0x42: {  	[tilespmem:s19+$0x8A00] =	vst v4  }
0x43: {  	v4 =	vld.idx.msk [tilespmem:v53+s2+$0x0], $0xffff  }
0x44: {  	v54 =	vor.u32 $0x300, v3;
	_ =	sdelay $0x3  }
0x45: {  	[tilespmem:s19+$0x10000] =	vst v4  }
0x46: {  	v4 =	vld.idx.msk [tilespmem:v54+s2+$0x0], $0xffff  }
0x47: {  	v55 =	vor.u32 $0x300, v2;
	_ =	sdelay $0x3  }
0x48: {  	[tilespmem:s19+$0x8A80] =	vst v4  }
0x49: {  	v4 =	vld.idx.msk [tilespmem:v55+s2+$0x0], $0xffff  }
0x4a: {  	v56 =	vor.u32 $0x380, v3;
	_ =	sdelay $0x3  }
0x4b: {  	[tilespmem:s19+$0x10080] =	vst v4  }
0x4c: {  	v4 =	vld.idx.msk [tilespmem:v56+s2+$0x0], $0xffff  }
0x4d: {  	s31 =	sand.u32 $0x7, s2;
	v57 =	vor.u32 $0x380, v2  }
0x4e: {  	s18 =	sshll.u32 s31, $0x4  }
0x4f: {  	s18 =	sadd.s32 $0x0, s18  }
0x50: {  	s18 =	sor.u32 $0x380, s18  }
0x51: {  	[tilespmem:s18+$0x8780] =	vst v4  }
0x52: {  	v4 =	vld.idx.msk [tilespmem:v57+s2+$0x0], $0xffff  }
0x53: {  	v58 =	vadd.s32 $0x4000, v3;
	_ =	sdelay $0x3  }
0x54: {  	[tilespmem:s19+$0x10100] =	vst v4  }
0x55: {  	v4 =	vld.idx.msk [tilespmem:v58+s2+$0x0], $0xffff  }
0x56: {  	v59 =	vadd.s32 $0x4000, v2;
	_ =	sdelay $0x3  }
0x57: {  	[tilespmem:s19+$0xC380] =	vst v4  }
0x58: {  	v4 =	vld.idx.msk [tilespmem:v59+s2+$0x0], $0xffff  }
0x59: {  	v60 =	vadd.s32 $0x4080, v3;
	_ =	sdelay $0x3  }
0x5a: {  	[tilespmem:s19+$0x10180] =	vst v4  }
0x5b: {  	v4 =	vld.idx.msk [tilespmem:v60+s2+$0x0], $0xffff  }
0x5c: {  	v61 =	vadd.s32 $0x4080, v2;
	_ =	sdelay $0x3  }
0x5d: {  	[tilespmem:s19+$0xC400] =	vst v4  }
0x5e: {  	v4 =	vld.idx.msk [tilespmem:v61+s2+$0x0], $0xffff  }
0x5f: {  	v62 =	vadd.s32 $0x4100, v3;
	_ =	sdelay $0x3  }
0x60: {  	[tilespmem:s19+$0x10200] =	vst v4  }
0x61: {  	v4 =	vld.idx.msk [tilespmem:v62+s2+$0x0], $0xffff  }
0x62: {  	v63 =	vadd.s32 $0x4100, v2;
	_ =	sdelay $0x3  }
0x63: {  	[tilespmem:s19+$0xC480] =	vst v4  }
0x64: {  	v4 =	vld.idx.msk [tilespmem:v63+s2+$0x0], $0xffff  }
0x65: {  	v3 =	vadd.s32 $0x4180, v3;
	_ =	sdelay $0x3  }
0x66: {  	[tilespmem:s19+$0x10280] =	vst v4  }
0x67: {  	v3 =	vld.idx.msk [tilespmem:v3+s2+$0x0], $0xffff  }
0x68: {  	v2 =	vadd.s32 $0x4180, v2;
	_ =	sdelay $0x3  }
0x69: {  	[tilespmem:s19+$0xC500] =	vst v3  }
0x6a: {  	v2 =	vld.idx.msk [tilespmem:v2+s2+$0x0], $0xffff;
	_ =	sdelay $0x1  }
0x6b: {  	s20 =	simm.s32 $0x10;
	s24 =	simm.s32 $0x20;
	s25 =	sadd.s32 $0x10, s10  }
0x6c: {  	s22 =	simm.s32 $0x8010;
	s21 =	simm.s32 $0x0;
	s18 =	simm.s32 $0x0  }
.LBB2_2:
0x6d: {  	s21 =	sadd.s32 $0x80, s21  }
0x6e: {  	v3 =	vmov s25;
	[tilespmem:s19+$0x10300] =	vst v2;
	s18 =	sadd.s32 $0x1, s18;
	s19 =	smov.u32 s24;
	s23 =	sadd.s32 $0x10, s24  }
0x6f: {  	p0 =	sne.s32 s24, $0x770;
	v2 =	vld [tilespmem:s22+$0x0];
	v3 =	vbroadcast v3, $0x0;
	_ =	sdelay $0x1  }
0x70: {  	v4 =	vor.u32 v0, v3  }
0x71: {  	v5 =	vmulhi.u32 $0x88888889, v4;
	_ =	sdelay $0x1  }
0x72: {  	v5 =	vshrl.u32 v5, $0x4;
	v6 =	vshll.u32 v2, $0x3  }
0x73: {  	v2 =	vand.u32 $0x7F, v2;
	v7 =	vmul.u32 $0xFFFFFFE2, v5;
	v6 =	vand.u32 $0xFFFFFC00, v6  }
0x74: {  	v4 =	vsub.s32 $0x0, v4;
	v2 =	vor.u32 v2, v6  }
0x75: {  	vm0 =	veq.s32 v3, v0;
	vm1 =	vne.s32 v7, v4  }
0x76: {  	vm0 =	vmand vm0, vm1  }
0x77: {  	v3 =	vsel vm0, $0xFFFFFFFF, v1  }
0x78: {  	v3 =	vadd.s32 v3, v5  }
0x79: {  	v4 =	vld.idx.msk [tilespmem:v2+s2+$0x0], $0xffff;
	v5 =	vshll.u32 v3, $0x3  }
0x7a: {  	v3 =	vand.u32 $0x7F, v3;
	v5 =	vand.u32 $0xFFFFFC00, v5  }
0x7b: {  	v3 =	vor.u32 v3, v5;
	_ =	sdelay $0x1  }
0x7c: {  	s24 =	sand.u32 $0x70, s20;
	s25 =	sand.u32 $0x3C00, s21;
	s20 =	smov.u32 s19  }
0x7d: {  	s19 =	sor.u32 s24, s25  }
0x7e: {  	[tilespmem:s19+$0x8780] =	vst v4  }
0x7f: {  	v4 =	vld.idx.msk [tilespmem:v3+s2+$0x0], $0xffff;
	_ =	sdelay $0x1  }
0x80: {  	v5 =	vor.u32 $0x80, v2;
	_ =	sdelay $0x3  }
0x81: {  	[tilespmem:s19+$0xC580] =	vst v4  }
0x82: {  	v4 =	vld.idx.msk [tilespmem:v5+s2+$0x0], $0xffff;
	_ =	sdelay $0x1  }
0x83: {  	v5 =	vor.u32 $0x80, v3;
	_ =	sdelay $0x3  }
0x84: {  	[tilespmem:s19+$0x8800] =	vst v4  }
0x85: {  	v4 =	vld.idx.msk [tilespmem:v5+s2+$0x0], $0xffff;
	_ =	sdelay $0x1  }
0x86: {  	v5 =	vor.u32 $0x100, v2;
	_ =	sdelay $0x3  }
0x87: {  	[tilespmem:s19+$0xC600] =	vst v4  }
0x88: {  	v4 =	vld.idx.msk [tilespmem:v5+s2+$0x0], $0xffff;
	_ =	sdelay $0x1  }
0x89: {  	v5 =	vor.u32 $0x100, v3;
	_ =	sdelay $0x3  }
0x8a: {  	[tilespmem:s19+$0x8880] =	vst v4  }
0x8b: {  	v4 =	vld.idx.msk [tilespmem:v5+s2+$0x0], $0xffff;
	_ =	sdelay $0x1  }
0x8c: {  	v5 =	vor.u32 $0x180, v2;
	_ =	sdelay $0x3  }
0x8d: {  	[tilespmem:s19+$0xC680] =	vst v4  }
0x8e: {  	v4 =	vld.idx.msk [tilespmem:v5+s2+$0x0], $0xffff;
	_ =	sdelay $0x1  }
0x8f: {  	v5 =	vor.u32 $0x180, v3;
	_ =	sdelay $0x3  }
0x90: {  	[tilespmem:s19+$0x8900] =	vst v4  }
0x91: {  	v4 =	vld.idx.msk [tilespmem:v5+s2+$0x0], $0xffff;
	_ =	sdelay $0x1  }
0x92: {  	v5 =	vor.u32 $0x200, v2;
	_ =	sdelay $0x3  }
0x93: {  	[tilespmem:s19+$0xC700] =	vst v4  }
0x94: {  	v4 =	vld.idx.msk [tilespmem:v5+s2+$0x0], $0xffff;
	_ =	sdelay $0x1  }
0x95: {  	v5 =	vor.u32 $0x200, v3;
	_ =	sdelay $0x3  }
0x96: {  	[tilespmem:s19+$0x8980] =	vst v4  }
0x97: {  	v4 =	vld.idx.msk [tilespmem:v5+s2+$0x0], $0xffff;
	_ =	sdelay $0x1  }
0x98: {  	v5 =	vor.u32 $0x280, v2;
	_ =	sdelay $0x3  }
0x99: {  	[tilespmem:s19+$0xFF80] =	vst v4  }
0x9a: {  	v4 =	vld.idx.msk [tilespmem:v5+s2+$0x0], $0xffff;
	_ =	sdelay $0x1  }
0x9b: {  	v5 =	vor.u32 $0x280, v3;
	_ =	sdelay $0x3  }
0x9c: {  	[tilespmem:s19+$0x8A00] =	vst v4  }
0x9d: {  	v4 =	vld.idx.msk [tilespmem:v5+s2+$0x0], $0xffff;
	_ =	sdelay $0x1  }
0x9e: {  	v5 =	vor.u32 $0x300, v2;
	_ =	sdelay $0x3  }
0x9f: {  	[tilespmem:s19+$0x10000] =	vst v4  }
0xa0: {  	v4 =	vld.idx.msk [tilespmem:v5+s2+$0x0], $0xffff;
	_ =	sdelay $0x1  }
0xa1: {  	v5 =	vor.u32 $0x300, v3;
	_ =	sdelay $0x3  }
0xa2: {  	[tilespmem:s19+$0x8A80] =	vst v4  }
0xa3: {  	v4 =	vld.idx.msk [tilespmem:v5+s2+$0x0], $0xffff;
	_ =	sdelay $0x1  }
0xa4: {  	v5 =	vor.u32 $0x380, v2;
	_ =	sdelay $0x3  }
0xa5: {  	[tilespmem:s19+$0x10080] =	vst v4  }
0xa6: {  	v4 =	vld.idx.msk [tilespmem:v5+s2+$0x0], $0xffff;
	_ =	sdelay $0x1  }
0xa7: {  	s24 =	sand.u32 $0x7, s18;
	v5 =	vor.u32 $0x380, v3  }
0xa8: {  	s24 =	sshll.u32 s24, $0x4  }
0xa9: {  	s24 =	sadd.s32 s24, s21  }
0xaa: {  	s24 =	sor.u32 $0x380, s24  }
0xab: {  	[tilespmem:s24+$0x8780] =	vst v4  }
0xac: {  	v4 =	vld.idx.msk [tilespmem:v5+s2+$0x0], $0xffff;
	_ =	sdelay $0x1  }
0xad: {  	v5 =	vadd.s32 $0x4000, v2;
	_ =	sdelay $0x3  }
0xae: {  	[tilespmem:s19+$0x10100] =	vst v4  }
0xaf: {  	v4 =	vld.idx.msk [tilespmem:v5+s2+$0x0], $0xffff;
	_ =	sdelay $0x1  }
0xb0: {  	v5 =	vadd.s32 $0x4000, v3;
	_ =	sdelay $0x3  }
0xb1: {  	[tilespmem:s19+$0xC380] =	vst v4  }
0xb2: {  	v4 =	vld.idx.msk [tilespmem:v5+s2+$0x0], $0xffff;
	_ =	sdelay $0x1  }
0xb3: {  	v5 =	vadd.s32 $0x4080, v2;
	_ =	sdelay $0x3  }
0xb4: {  	[tilespmem:s19+$0x10180] =	vst v4  }
0xb5: {  	v4 =	vld.idx.msk [tilespmem:v5+s2+$0x0], $0xffff;
	_ =	sdelay $0x1  }
0xb6: {  	v5 =	vadd.s32 $0x4080, v3;
	_ =	sdelay $0x3  }
0xb7: {  	[tilespmem:s19+$0xC400] =	vst v4  }
0xb8: {  	v4 =	vld.idx.msk [tilespmem:v5+s2+$0x0], $0xffff;
	_ =	sdelay $0x1  }
0xb9: {  	v5 =	vadd.s32 $0x4100, v2;
	_ =	sdelay $0x3  }
0xba: {  	[tilespmem:s19+$0x10200] =	vst v4  }
0xbb: {  	v4 =	vld.idx.msk [tilespmem:v5+s2+$0x0], $0xffff;
	_ =	sdelay $0x1  }
0xbc: {  	v5 =	vadd.s32 $0x4100, v3;
	_ =	sdelay $0x3  }
0xbd: {  	[tilespmem:s19+$0xC480] =	vst v4  }
0xbe: {  	v4 =	vld.idx.msk [tilespmem:v5+s2+$0x0], $0xffff;
	_ =	sdelay $0x1  }
0xbf: {  	v2 =	vadd.s32 $0x4180, v2;
	_ =	sdelay $0x3  }
0xc0: {  	[tilespmem:s19+$0x10280] =	vst v4  }
0xc1: {  	v2 =	vld.idx.msk [tilespmem:v2+s2+$0x0], $0xffff;
	_ =	sdelay $0x1  }
0xc2: {  	v3 =	vadd.s32 $0x4180, v3;
	_ =	sdelay $0x3  }
0xc3: {  	[tilespmem:s19+$0xC500] =	vst v2  }
0xc4: {  	v2 =	vld.idx.msk [tilespmem:v3+s2+$0x0], $0xffff  }
.Ltmp0:
0xc5: {  	(pc) =	sbr.rel @p0 .LBB2_2-.Ltmp0, $2  }
0xc6: {  	_ =	sdelay $0x2  }
0xc7: {  	s22 =	sadd.s32 $0x10, s22;
	s25 =	sadd.s32 s20, s10;
	s24 =	smov.u32 s23  }
0xc8: {  	v3 =	vmov s25  }
0xc9: {  	[tilespmem:s19+$0x10300] =	vst v2;
	v2 =	vbroadcast v3, $0x0  }
0xca: {  	v3 =	vld [tilespmem:s22+$0x0]  }
0xcb: {  	v4 =	vor.u32 v0, v2  }
0xcc: {  	v5 =	vmulhi.u32 $0x88888889, v4;
	_ =	sdelay $0x1  }
0xcd: {  	v5 =	vshrl.u32 v5, $0x4  }
0xce: {  	v6 =	vshll.u32 v3, $0x3;
	v7 =	vmul.u32 $0xFFFFFFE2, v5  }
0xcf: {  	v4 =	vsub.s32 $0x0, v4;
	v3 =	vand.u32 $0x7F, v3;
	v6 =	vand.u32 $0xFFFFFC00, v6  }
0xd0: {  	vm0 =	veq.s32 v2, v0;
	v3 =	vor.u32 v3, v6;
	vm1 =	vne.s32 v7, v4  }
0xd1: {  	vm0 =	vmand vm0, vm1  }
0xd2: {  	v2 =	vsel vm0, $0xFFFFFFFF, v1  }
0xd3: {  	v2 =	vadd.s32 v2, v5  }
0xd4: {  	v16 =	vshll.u32 v2, $0x3  }
0xd5: {  	v17 =	vld.idx.msk [tilespmem:v3+s2+$0x0], $0xffff;
	v2 =	vand.u32 $0x7F, v2;
	v4 =	vand.u32 $0xFFFFFC00, v16  }
0xd6: {  	v2 =	vor.u32 v2, v4  }
0xd7: {  	s21 =	sadd.s32 $0x80, s21  }
0xd8: {  	s24 =	sand.u32 $0x70, s20;
	s25 =	sand.u32 $0x3C00, s21  }
0xd9: {  	s19 =	sor.u32 s24, s25  }
0xda: {  	[tilespmem:s19+$0x8780] =	vst v17  }
0xdb: {  	v4 =	vld.idx.msk [tilespmem:v2+s2+$0x0], $0xffff  }
0xdc: {  	v18 =	vor.u32 $0x80, v3;
	_ =	sdelay $0x3  }
0xdd: {  	[tilespmem:s19+$0xC580] =	vst v4  }
0xde: {  	v4 =	vld.idx.msk [tilespmem:v18+s2+$0x0], $0xffff  }
0xdf: {  	v19 =	vor.u32 $0x80, v2;
	_ =	sdelay $0x3  }
0xe0: {  	[tilespmem:s19+$0x8800] =	vst v4  }
0xe1: {  	v4 =	vld.idx.msk [tilespmem:v19+s2+$0x0], $0xffff  }
0xe2: {  	v20 =	vor.u32 $0x100, v3;
	_ =	sdelay $0x3  }
0xe3: {  	[tilespmem:s19+$0xC600] =	vst v4  }
0xe4: {  	v4 =	vld.idx.msk [tilespmem:v20+s2+$0x0], $0xffff  }
0xe5: {  	v21 =	vor.u32 $0x100, v2;
	_ =	sdelay $0x3  }
0xe6: {  	[tilespmem:s19+$0x8880] =	vst v4  }
0xe7: {  	v4 =	vld.idx.msk [tilespmem:v21+s2+$0x0], $0xffff  }
0xe8: {  	v22 =	vor.u32 $0x180, v3;
	_ =	sdelay $0x3  }
0xe9: {  	[tilespmem:s19+$0xC680] =	vst v4  }
0xea: {  	v4 =	vld.idx.msk [tilespmem:v22+s2+$0x0], $0xffff  }
0xeb: {  	v23 =	vor.u32 $0x180, v2;
	_ =	sdelay $0x3  }
0xec: {  	[tilespmem:s19+$0x8900] =	vst v4  }
0xed: {  	v4 =	vld.idx.msk [tilespmem:v23+s2+$0x0], $0xffff  }
0xee: {  	v24 =	vor.u32 $0x200, v3;
	_ =	sdelay $0x3  }
0xef: {  	[tilespmem:s19+$0xC700] =	vst v4  }
0xf0: {  	v4 =	vld.idx.msk [tilespmem:v24+s2+$0x0], $0xffff  }
0xf1: {  	v25 =	vor.u32 $0x200, v2;
	_ =	sdelay $0x3  }
0xf2: {  	[tilespmem:s19+$0x8980] =	vst v4  }
0xf3: {  	v4 =	vld.idx.msk [tilespmem:v25+s2+$0x0], $0xffff  }
0xf4: {  	v26 =	vor.u32 $0x280, v3;
	_ =	sdelay $0x3  }
0xf5: {  	[tilespmem:s19+$0xFF80] =	vst v4  }
0xf6: {  	v4 =	vld.idx.msk [tilespmem:v26+s2+$0x0], $0xffff  }
0xf7: {  	v27 =	vor.u32 $0x280, v2;
	_ =	sdelay $0x3  }
0xf8: {  	[tilespmem:s19+$0x8A00] =	vst v4  }
0xf9: {  	v4 =	vld.idx.msk [tilespmem:v27+s2+$0x0], $0xffff  }
0xfa: {  	v28 =	vor.u32 $0x300, v3;
	_ =	sdelay $0x3  }
0xfb: {  	[tilespmem:s19+$0x10000] =	vst v4  }
0xfc: {  	v4 =	vld.idx.msk [tilespmem:v28+s2+$0x0], $0xffff  }
0xfd: {  	v29 =	vor.u32 $0x300, v2;
	_ =	sdelay $0x3  }
0xfe: {  	[tilespmem:s19+$0x8A80] =	vst v4  }
0xff: {  	v4 =	vld.idx.msk [tilespmem:v29+s2+$0x0], $0xffff  }
0x100: {  	v30 =	vor.u32 $0x380, v3;
	_ =	sdelay $0x3  }
0x101: {  	[tilespmem:s19+$0x10080] =	vst v4  }
0x102: {  	s18 =	sadd.s32 $0x1, s18;
	v4 =	vld.idx.msk [tilespmem:v30+s2+$0x0], $0xffff  }
0x103: {  	s18 =	sand.u32 $0x7, s18;
	v31 =	vor.u32 $0x380, v2  }
0x104: {  	s18 =	sshll.u32 s18, $0x4  }
0x105: {  	s18 =	sadd.s32 s18, s21  }
0x106: {  	s18 =	sor.u32 $0x380, s18  }
0x107: {  	[tilespmem:s18+$0x8780] =	vst v4  }
0x108: {  	v4 =	vld.idx.msk [tilespmem:v31+s2+$0x0], $0xffff  }
0x109: {  	v32 =	vadd.s32 $0x4000, v3;
	_ =	sdelay $0x3  }
0x10a: {  	[tilespmem:s19+$0x10100] =	vst v4  }
0x10b: {  	v4 =	vld.idx.msk [tilespmem:v32+s2+$0x0], $0xffff  }
0x10c: {  	v33 =	vadd.s32 $0x4000, v2;
	_ =	sdelay $0x3  }
0x10d: {  	[tilespmem:s19+$0xC380] =	vst v4  }
0x10e: {  	v4 =	vld.idx.msk [tilespmem:v33+s2+$0x0], $0xffff  }
0x10f: {  	v34 =	vadd.s32 $0x4080, v3;
	_ =	sdelay $0x3  }
0x110: {  	[tilespmem:s19+$0x10180] =	vst v4  }
0x111: {  	v4 =	vld.idx.msk [tilespmem:v34+s2+$0x0], $0xffff  }
0x112: {  	v35 =	vadd.s32 $0x4080, v2;
	_ =	sdelay $0x3  }
0x113: {  	[tilespmem:s19+$0xC400] =	vst v4  }
0x114: {  	v4 =	vld.idx.msk [tilespmem:v35+s2+$0x0], $0xffff  }
0x115: {  	v36 =	vadd.s32 $0x4100, v3;
	_ =	sdelay $0x3  }
0x116: {  	[tilespmem:s19+$0x10200] =	vst v4  }
0x117: {  	v4 =	vld.idx.msk [tilespmem:v36+s2+$0x0], $0xffff  }
0x118: {  	v37 =	vadd.s32 $0x4100, v2;
	_ =	sdelay $0x3  }
0x119: {  	[tilespmem:s19+$0xC480] =	vst v4  }
0x11a: {  	v4 =	vld.idx.msk [tilespmem:v37+s2+$0x0], $0xffff  }
0x11b: {  	v3 =	vadd.s32 $0x4180, v3;
	_ =	sdelay $0x3  }
0x11c: {  	[tilespmem:s19+$0x10280] =	vst v4  }
0x11d: {  	v3 =	vld.idx.msk [tilespmem:v3+s2+$0x0], $0xffff  }
0x11e: {  	v2 =	vadd.s32 $0x4180, v2;
	_ =	sdelay $0x3  }
0x11f: {  	[tilespmem:s19+$0xC500] =	vst v3  }
0x120: {  	v2 =	vld.idx.msk [tilespmem:v2+s2+$0x0], $0xffff;
	_ =	sdelay $0x4  }
0x121: {  	[tilespmem:s19+$0x10300] =	vst v2  }
0x122: {  	[hbm4b:s5+s14] =	stream.strided.scatter [tilespmem:s16], [sflag:$0x1], $0xB400, s15, s14, $0x38;
	[tilespmem:$0x13B80] =	vst v63  }
0x123: {  	_ =	swait.ge [sflag:s11], $0xB400  }
0x124: {  	[sflag:s11] =	ssyncset.done $0x0  }
0x125: {  	s18 =	simm.s32 $0x0;
	[sflag:s11] =	ssyncadd.s32 $0xFFFF4C00  }
0x126: {  	[tilespmem:s18], [sflag:$0x1] =	stream.linear.gather [hbm4b:s6+s18], $0x8000, $0x38;
	[tilespmem:$0x13B80] =	vst v63  }
0x127: {  	_ =	swait.ge [sflag:s11], $0x8000  }
0x128: {  	[sflag:s11] =	ssyncset.done $0x0  }
0x129: {  	s26 =	simm.s32 $0x8000;
	[sflag:s11] =	ssyncadd.s32 $0xFFFF8000  }
0x12a: {  	[tilespmem:s26], [sflag:$0x1] =	stream.strided.gather [hbm4b:s7+s12], $0x780, s13, s12, $0x38;
	[tilespmem:$0x13B80] =	vst v63  }
0x12b: {  	s28 =	sadd.s32 $0x0, s10;
	_ =	swait.ge [sflag:s11], $0x780  }
0x12c: {  	v2 =	vmov s28;
	[sflag:s11] =	ssyncset.done $0x0  }
0x12d: {  	v2 =	vbroadcast v2, $0x0;
	[sflag:s11] =	ssyncadd.s32 $0xFFFFF880  }
0x12e: {  	v3 =	vld [tilespmem:s26+$0x0]  }
0x12f: {  	v38 =	vor.u32 v0, v2  }
0x130: {  	v39 =	vmulhi.u32 $0x88888889, v38;
	_ =	sdelay $0x1  }
0x131: {  	v5 =	vshrl.u32 v39, $0x4  }
0x132: {  	v41 =	vmul.u32 $0xFFFFFFE2, v5;
	v40 =	vshll.u32 v3, $0x3  }
0x133: {  	v4 =	vsub.s32 $0x0, v38;
	v3 =	vand.u32 $0x7F, v3;
	v6 =	vand.u32 $0xFFFFFC00, v40  }
0x134: {  	vm14 =	veq.s32 v2, v0;
	vm15 =	vne.s32 v41, v4;
	v3 =	vor.u32 v3, v6  }
0x135: {  	vm0 =	vmand vm14, vm15  }
0x136: {  	v2 =	vsel vm0, $0xFFFFFFFF, v1  }
0x137: {  	v2 =	vadd.s32 v2, v5  }
0x138: {  	v42 =	vshll.u32 v2, $0x3  }
0x139: {  	v2 =	vand.u32 $0x7F, v2;
	v4 =	vand.u32 $0xFFFFFC00, v42;
	v43 =	vld.idx.msk [tilespmem:v3+s2+$0x0], $0xffff  }
0x13a: {  	v2 =	vor.u32 v2, v4;
	_ =	sdelay $0x1  }
0x13b: {  	s29 =	sand.u32 $0x70, s18;
	s30 =	sand.u32 $0x3C00, s18  }
0x13c: {  	s20 =	sor.u32 s29, s30  }
0x13d: {  	[tilespmem:s20+$0x8780] =	vst v43  }
0x13e: {  	v4 =	vld.idx.msk [tilespmem:v2+s2+$0x0], $0xffff  }
0x13f: {  	v44 =	vor.u32 $0x80, v3;
	_ =	sdelay $0x3  }
0x140: {  	[tilespmem:s20+$0xC580] =	vst v4  }
0x141: {  	v4 =	vld.idx.msk [tilespmem:v44+s2+$0x0], $0xffff  }
0x142: {  	v45 =	vor.u32 $0x80, v2;
	_ =	sdelay $0x3  }
0x143: {  	[tilespmem:s20+$0x8800] =	vst v4  }
0x144: {  	v4 =	vld.idx.msk [tilespmem:v45+s2+$0x0], $0xffff  }
0x145: {  	v46 =	vor.u32 $0x100, v3;
	_ =	sdelay $0x3  }
0x146: {  	[tilespmem:s20+$0xC600] =	vst v4  }
0x147: {  	v4 =	vld.idx.msk [tilespmem:v46+s2+$0x0], $0xffff  }
0x148: {  	v47 =	vor.u32 $0x100, v2;
	_ =	sdelay $0x3  }
0x149: {  	[tilespmem:s20+$0x8880] =	vst v4  }
0x14a: {  	v4 =	vld.idx.msk [tilespmem:v47+s2+$0x0], $0xffff  }
0x14b: {  	v48 =	vor.u32 $0x180, v3;
	_ =	sdelay $0x3  }
0x14c: {  	[tilespmem:s20+$0xC680] =	vst v4  }
0x14d: {  	v4 =	vld.idx.msk [tilespmem:v48+s2+$0x0], $0xffff  }
0x14e: {  	v49 =	vor.u32 $0x180, v2;
	_ =	sdelay $0x3  }
0x14f: {  	[tilespmem:s20+$0x8900] =	vst v4  }
0x150: {  	v4 =	vld.idx.msk [tilespmem:v49+s2+$0x0], $0xffff  }
0x151: {  	v50 =	vor.u32 $0x200, v3;
	_ =	sdelay $0x3  }
0x152: {  	[tilespmem:s20+$0xC700] =	vst v4  }
0x153: {  	v4 =	vld.idx.msk [tilespmem:v50+s2+$0x0], $0xffff  }
0x154: {  	v51 =	vor.u32 $0x200, v2;
	_ =	sdelay $0x3  }
0x155: {  	[tilespmem:s20+$0x8980] =	vst v4  }
0x156: {  	v4 =	vld.idx.msk [tilespmem:v51+s2+$0x0], $0xffff  }
0x157: {  	v52 =	vor.u32 $0x280, v3;
	_ =	sdelay $0x3  }
0x158: {  	[tilespmem:s20+$0xFF80] =	vst v4  }
0x159: {  	v4 =	vld.idx.msk [tilespmem:v52+s2+$0x0], $0xffff  }
0x15a: {  	v53 =	vor.u32 $0x280, v2;
	_ =	sdelay $0x3  }
0x15b: {  	[tilespmem:s20+$0x8A00] =	vst v4  }
0x15c: {  	v4 =	vld.idx.msk [tilespmem:v53+s2+$0x0], $0xffff  }
0x15d: {  	v54 =	vor.u32 $0x300, v3;
	_ =	sdelay $0x3  }
0x15e: {  	[tilespmem:s20+$0x10000] =	vst v4  }
0x15f: {  	v4 =	vld.idx.msk [tilespmem:v54+s2+$0x0], $0xffff  }
0x160: {  	v55 =	vor.u32 $0x300, v2;
	_ =	sdelay $0x3  }
0x161: {  	[tilespmem:s20+$0x8A80] =	vst v4  }
0x162: {  	v4 =	vld.idx.msk [tilespmem:v55+s2+$0x0], $0xffff  }
0x163: {  	v56 =	vor.u32 $0x380, v3;
	_ =	sdelay $0x3  }
0x164: {  	[tilespmem:s20+$0x10080] =	vst v4  }
0x165: {  	v4 =	vld.idx.msk [tilespmem:v56+s2+$0x0], $0xffff  }
0x166: {  	s31 =	sand.u32 $0x7, s18;
	v57 =	vor.u32 $0x380, v2  }
0x167: {  	s19 =	sshll.u32 s31, $0x4  }
0x168: {  	s19 =	sadd.s32 $0x0, s19  }
0x169: {  	s19 =	sor.u32 $0x380, s19  }
0x16a: {  	[tilespmem:s19+$0x8780] =	vst v4  }
0x16b: {  	v4 =	vld.idx.msk [tilespmem:v57+s2+$0x0], $0xffff  }
0x16c: {  	v58 =	vadd.s32 $0x4000, v3;
	_ =	sdelay $0x3  }
0x16d: {  	[tilespmem:s20+$0x10100] =	vst v4  }
0x16e: {  	v4 =	vld.idx.msk [tilespmem:v58+s2+$0x0], $0xffff  }
0x16f: {  	v59 =	vadd.s32 $0x4000, v2;
	_ =	sdelay $0x3  }
0x170: {  	[tilespmem:s20+$0xC380] =	vst v4  }
0x171: {  	v4 =	vld.idx.msk [tilespmem:v59+s2+$0x0], $0xffff  }
0x172: {  	v60 =	vadd.s32 $0x4080, v3;
	_ =	sdelay $0x3  }
0x173: {  	[tilespmem:s20+$0x10180] =	vst v4  }
0x174: {  	v4 =	vld.idx.msk [tilespmem:v60+s2+$0x0], $0xffff  }
0x175: {  	v61 =	vadd.s32 $0x4080, v2;
	_ =	sdelay $0x3  }
0x176: {  	[tilespmem:s20+$0xC400] =	vst v4  }
0x177: {  	v4 =	vld.idx.msk [tilespmem:v61+s2+$0x0], $0xffff  }
0x178: {  	v62 =	vadd.s32 $0x4100, v3;
	_ =	sdelay $0x3  }
0x179: {  	[tilespmem:s20+$0x10200] =	vst v4  }
0x17a: {  	v4 =	vld.idx.msk [tilespmem:v62+s2+$0x0], $0xffff  }
0x17b: {  	v63 =	vadd.s32 $0x4100, v2;
	_ =	sdelay $0x3  }
0x17c: {  	[tilespmem:s20+$0xC480] =	vst v4  }
0x17d: {  	v4 =	vld.idx.msk [tilespmem:v63+s2+$0x0], $0xffff  }
0x17e: {  	v3 =	vadd.s32 $0x4180, v3;
	_ =	sdelay $0x3  }
0x17f: {  	[tilespmem:s20+$0x10280] =	vst v4  }
0x180: {  	v3 =	vld.idx.msk [tilespmem:v3+s2+$0x0], $0xffff  }
0x181: {  	v2 =	vadd.s32 $0x4180, v2;
	_ =	sdelay $0x3  }
0x182: {  	[tilespmem:s20+$0xC500] =	vst v3  }
0x183: {  	v2 =	vld.idx.msk [tilespmem:v2+s2+$0x0], $0xffff;
	_ =	sdelay $0x1  }
0x184: {  	s22 =	simm.s32 $0x8010;
	s24 =	simm.s32 $0x20  }
0x185: {  	s25 =	sadd.s32 $0x10, s10;
	s21 =	simm.s32 $0x10;
	s19 =	simm.s32 $0x0  }
.LBB2_4:
0x186: {  	s18 =	sadd.s32 $0x80, s18  }
0x187: {  	v3 =	vmov s25;
	[tilespmem:s20+$0x10300] =	vst v2;
	s19 =	sadd.s32 $0x1, s19;
	s20 =	smov.u32 s24;
	s23 =	sadd.s32 $0x10, s24  }
0x188: {  	p0 =	sne.s32 s24, $0x770;
	v2 =	vld [tilespmem:s22+$0x0];
	v3 =	vbroadcast v3, $0x0;
	_ =	sdelay $0x1  }
0x189: {  	v4 =	vor.u32 v0, v3  }
0x18a: {  	v5 =	vmulhi.u32 $0x88888889, v4;
	_ =	sdelay $0x1  }
0x18b: {  	v5 =	vshrl.u32 v5, $0x4;
	v6 =	vshll.u32 v2, $0x3  }
0x18c: {  	v2 =	vand.u32 $0x7F, v2;
	v7 =	vmul.u32 $0xFFFFFFE2, v5;
	v6 =	vand.u32 $0xFFFFFC00, v6  }
0x18d: {  	v4 =	vsub.s32 $0x0, v4;
	v2 =	vor.u32 v2, v6  }
0x18e: {  	vm0 =	veq.s32 v3, v0;
	vm1 =	vne.s32 v7, v4  }
0x18f: {  	vm0 =	vmand vm0, vm1  }
0x190: {  	v3 =	vsel vm0, $0xFFFFFFFF, v1  }
0x191: {  	v3 =	vadd.s32 v3, v5  }
0x192: {  	v4 =	vld.idx.msk [tilespmem:v2+s2+$0x0], $0xffff;
	v5 =	vshll.u32 v3, $0x3  }
0x193: {  	v3 =	vand.u32 $0x7F, v3;
	v5 =	vand.u32 $0xFFFFFC00, v5  }
0x194: {  	v3 =	vor.u32 v3, v5;
	_ =	sdelay $0x1  }
0x195: {  	s24 =	sand.u32 $0x70, s21;
	s25 =	sand.u32 $0x3C00, s18;
	s21 =	smov.u32 s20  }
0x196: {  	s20 =	sor.u32 s24, s25  }
0x197: {  	[tilespmem:s20+$0x8780] =	vst v4  }
0x198: {  	v4 =	vld.idx.msk [tilespmem:v3+s2+$0x0], $0xffff;
	_ =	sdelay $0x1  }
0x199: {  	v5 =	vor.u32 $0x80, v2;
	_ =	sdelay $0x3  }
0x19a: {  	[tilespmem:s20+$0xC580] =	vst v4  }
0x19b: {  	v4 =	vld.idx.msk [tilespmem:v5+s2+$0x0], $0xffff;
	_ =	sdelay $0x1  }
0x19c: {  	v5 =	vor.u32 $0x80, v3;
	_ =	sdelay $0x3  }
0x19d: {  	[tilespmem:s20+$0x8800] =	vst v4  }
0x19e: {  	v4 =	vld.idx.msk [tilespmem:v5+s2+$0x0], $0xffff;
	_ =	sdelay $0x1  }
0x19f: {  	v5 =	vor.u32 $0x100, v2;
	_ =	sdelay $0x3  }
0x1a0: {  	[tilespmem:s20+$0xC600] =	vst v4  }
0x1a1: {  	v4 =	vld.idx.msk [tilespmem:v5+s2+$0x0], $0xffff;
	_ =	sdelay $0x1  }
0x1a2: {  	v5 =	vor.u32 $0x100, v3;
	_ =	sdelay $0x3  }
0x1a3: {  	[tilespmem:s20+$0x8880] =	vst v4  }
0x1a4: {  	v4 =	vld.idx.msk [tilespmem:v5+s2+$0x0], $0xffff;
	_ =	sdelay $0x1  }
0x1a5: {  	v5 =	vor.u32 $0x180, v2;
	_ =	sdelay $0x3  }
0x1a6: {  	[tilespmem:s20+$0xC680] =	vst v4  }
0x1a7: {  	v4 =	vld.idx.msk [tilespmem:v5+s2+$0x0], $0xffff;
	_ =	sdelay $0x1  }
0x1a8: {  	v5 =	vor.u32 $0x180, v3;
	_ =	sdelay $0x3  }
0x1a9: {  	[tilespmem:s20+$0x8900] =	vst v4  }
0x1aa: {  	v4 =	vld.idx.msk [tilespmem:v5+s2+$0x0], $0xffff;
	_ =	sdelay $0x1  }
0x1ab: {  	v5 =	vor.u32 $0x200, v2;
	_ =	sdelay $0x3  }
0x1ac: {  	[tilespmem:s20+$0xC700] =	vst v4  }
0x1ad: {  	v4 =	vld.idx.msk [tilespmem:v5+s2+$0x0], $0xffff;
	_ =	sdelay $0x1  }
0x1ae: {  	v5 =	vor.u32 $0x200, v3;
	_ =	sdelay $0x3  }
0x1af: {  	[tilespmem:s20+$0x8980] =	vst v4  }
0x1b0: {  	v4 =	vld.idx.msk [tilespmem:v5+s2+$0x0], $0xffff;
	_ =	sdelay $0x1  }
0x1b1: {  	v5 =	vor.u32 $0x280, v2;
	_ =	sdelay $0x3  }
0x1b2: {  	[tilespmem:s20+$0xFF80] =	vst v4  }
0x1b3: {  	v4 =	vld.idx.msk [tilespmem:v5+s2+$0x0], $0xffff;
	_ =	sdelay $0x1  }
0x1b4: {  	v5 =	vor.u32 $0x280, v3;
	_ =	sdelay $0x3  }
0x1b5: {  	[tilespmem:s20+$0x8A00] =	vst v4  }
0x1b6: {  	v4 =	vld.idx.msk [tilespmem:v5+s2+$0x0], $0xffff;
	_ =	sdelay $0x1  }
0x1b7: {  	v5 =	vor.u32 $0x300, v2;
	_ =	sdelay $0x3  }
0x1b8: {  	[tilespmem:s20+$0x10000] =	vst v4  }
0x1b9: {  	v4 =	vld.idx.msk [tilespmem:v5+s2+$0x0], $0xffff;
	_ =	sdelay $0x1  }
0x1ba: {  	v5 =	vor.u32 $0x300, v3;
	_ =	sdelay $0x3  }
0x1bb: {  	[tilespmem:s20+$0x8A80] =	vst v4  }
0x1bc: {  	v4 =	vld.idx.msk [tilespmem:v5+s2+$0x0], $0xffff;
	_ =	sdelay $0x1  }
0x1bd: {  	v5 =	vor.u32 $0x380, v2;
	_ =	sdelay $0x3  }
0x1be: {  	[tilespmem:s20+$0x10080] =	vst v4  }
0x1bf: {  	v4 =	vld.idx.msk [tilespmem:v5+s2+$0x0], $0xffff;
	_ =	sdelay $0x1  }
0x1c0: {  	s24 =	sand.u32 $0x7, s19;
	v5 =	vor.u32 $0x380, v3  }
0x1c1: {  	s24 =	sshll.u32 s24, $0x4  }
0x1c2: {  	s24 =	sadd.s32 s24, s18  }
0x1c3: {  	s24 =	sor.u32 $0x380, s24  }
0x1c4: {  	[tilespmem:s24+$0x8780] =	vst v4  }
0x1c5: {  	v4 =	vld.idx.msk [tilespmem:v5+s2+$0x0], $0xffff;
	_ =	sdelay $0x1  }
0x1c6: {  	v5 =	vadd.s32 $0x4000, v2;
	_ =	sdelay $0x3  }
0x1c7: {  	[tilespmem:s20+$0x10100] =	vst v4  }
0x1c8: {  	v4 =	vld.idx.msk [tilespmem:v5+s2+$0x0], $0xffff;
	_ =	sdelay $0x1  }
0x1c9: {  	v5 =	vadd.s32 $0x4000, v3;
	_ =	sdelay $0x3  }
0x1ca: {  	[tilespmem:s20+$0xC380] =	vst v4  }
0x1cb: {  	v4 =	vld.idx.msk [tilespmem:v5+s2+$0x0], $0xffff;
	_ =	sdelay $0x1  }
0x1cc: {  	v5 =	vadd.s32 $0x4080, v2;
	_ =	sdelay $0x3  }
0x1cd: {  	[tilespmem:s20+$0x10180] =	vst v4  }
0x1ce: {  	v4 =	vld.idx.msk [tilespmem:v5+s2+$0x0], $0xffff;
	_ =	sdelay $0x1  }
0x1cf: {  	v5 =	vadd.s32 $0x4080, v3;
	_ =	sdelay $0x3  }
0x1d0: {  	[tilespmem:s20+$0xC400] =	vst v4  }
0x1d1: {  	v4 =	vld.idx.msk [tilespmem:v5+s2+$0x0], $0xffff;
	_ =	sdelay $0x1  }
0x1d2: {  	v5 =	vadd.s32 $0x4100, v2;
	_ =	sdelay $0x3  }
0x1d3: {  	[tilespmem:s20+$0x10200] =	vst v4  }
0x1d4: {  	v4 =	vld.idx.msk [tilespmem:v5+s2+$0x0], $0xffff;
	_ =	sdelay $0x1  }
0x1d5: {  	v5 =	vadd.s32 $0x4100, v3;
	_ =	sdelay $0x3  }
0x1d6: {  	[tilespmem:s20+$0xC480] =	vst v4  }
0x1d7: {  	v4 =	vld.idx.msk [tilespmem:v5+s2+$0x0], $0xffff;
	_ =	sdelay $0x1  }
0x1d8: {  	v2 =	vadd.s32 $0x4180, v2;
	_ =	sdelay $0x3  }
0x1d9: {  	[tilespmem:s20+$0x10280] =	vst v4  }
0x1da: {  	v2 =	vld.idx.msk [tilespmem:v2+s2+$0x0], $0xffff;
	_ =	sdelay $0x1  }
0x1db: {  	v3 =	vadd.s32 $0x4180, v3;
	_ =	sdelay $0x3  }
0x1dc: {  	[tilespmem:s20+$0xC500] =	vst v2  }
0x1dd: {  	v2 =	vld.idx.msk [tilespmem:v3+s2+$0x0], $0xffff  }
.Ltmp1:
0x1de: {  	(pc) =	sbr.rel @p0 .LBB2_4-.Ltmp1, $2  }
0x1df: {  	_ =	sdelay $0x2  }
0x1e0: {  	s22 =	sadd.s32 $0x10, s22;
	s25 =	sadd.s32 s21, s10;
	s24 =	smov.u32 s23  }
0x1e1: {  	v3 =	vmov s25  }
0x1e2: {  	[tilespmem:s20+$0x10300] =	vst v2;
	v2 =	vbroadcast v3, $0x0  }
0x1e3: {  	v3 =	vld [tilespmem:s22+$0x0]  }
0x1e4: {  	v4 =	vor.u32 v0, v2  }
0x1e5: {  	v5 =	vmulhi.u32 $0x88888889, v4;
	_ =	sdelay $0x1  }
0x1e6: {  	v5 =	vshrl.u32 v5, $0x4  }
0x1e7: {  	v6 =	vshll.u32 v3, $0x3;
	v7 =	vmul.u32 $0xFFFFFFE2, v5  }
0x1e8: {  	v4 =	vsub.s32 $0x0, v4;
	v3 =	vand.u32 $0x7F, v3;
	v6 =	vand.u32 $0xFFFFFC00, v6  }
0x1e9: {  	vm0 =	veq.s32 v2, v0;
	v3 =	vor.u32 v3, v6;
	vm1 =	vne.s32 v7, v4  }
0x1ea: {  	vm0 =	vmand vm0, vm1  }
0x1eb: {  	v2 =	vsel vm0, $0xFFFFFFFF, v1  }
0x1ec: {  	v2 =	vadd.s32 v2, v5  }
0x1ed: {  	v42 =	vshll.u32 v2, $0x3  }
0x1ee: {  	v43 =	vld.idx.msk [tilespmem:v3+s2+$0x0], $0xffff;
	v2 =	vand.u32 $0x7F, v2;
	v4 =	vand.u32 $0xFFFFFC00, v42  }
0x1ef: {  	v2 =	vor.u32 v2, v4  }
0x1f0: {  	s29 =	sadd.s32 $0x80, s18  }
0x1f1: {  	s30 =	sand.u32 $0x70, s21;
	s31 =	sand.u32 $0x3C00, s29  }
0x1f2: {  	s18 =	sor.u32 s30, s31  }
0x1f3: {  	[tilespmem:s18+$0x8780] =	vst v43  }
0x1f4: {  	v4 =	vld.idx.msk [tilespmem:v2+s2+$0x0], $0xffff  }
0x1f5: {  	v44 =	vor.u32 $0x80, v3;
	_ =	sdelay $0x3  }
0x1f6: {  	[tilespmem:s18+$0xC580] =	vst v4  }
0x1f7: {  	v4 =	vld.idx.msk [tilespmem:v44+s2+$0x0], $0xffff  }
0x1f8: {  	v45 =	vor.u32 $0x80, v2;
	_ =	sdelay $0x3  }
0x1f9: {  	[tilespmem:s18+$0x8800] =	vst v4  }
0x1fa: {  	v4 =	vld.idx.msk [tilespmem:v45+s2+$0x0], $0xffff  }
0x1fb: {  	v46 =	vor.u32 $0x100, v3;
	_ =	sdelay $0x3  }
0x1fc: {  	[tilespmem:s18+$0xC600] =	vst v4  }
0x1fd: {  	v4 =	vld.idx.msk [tilespmem:v46+s2+$0x0], $0xffff  }
0x1fe: {  	v47 =	vor.u32 $0x100, v2;
	_ =	sdelay $0x3  }
0x1ff: {  	[tilespmem:s18+$0x8880] =	vst v4  }
0x200: {  	v4 =	vld.idx.msk [tilespmem:v47+s2+$0x0], $0xffff  }
0x201: {  	v48 =	vor.u32 $0x180, v3;
	_ =	sdelay $0x3  }
0x202: {  	[tilespmem:s18+$0xC680] =	vst v4  }
0x203: {  	v4 =	vld.idx.msk [tilespmem:v48+s2+$0x0], $0xffff  }
0x204: {  	v49 =	vor.u32 $0x180, v2;
	_ =	sdelay $0x3  }
0x205: {  	[tilespmem:s18+$0x8900] =	vst v4  }
0x206: {  	v4 =	vld.idx.msk [tilespmem:v49+s2+$0x0], $0xffff  }
0x207: {  	v50 =	vor.u32 $0x200, v3;
	_ =	sdelay $0x3  }
0x208: {  	[tilespmem:s18+$0xC700] =	vst v4  }
0x209: {  	v4 =	vld.idx.msk [tilespmem:v50+s2+$0x0], $0xffff  }
0x20a: {  	v51 =	vor.u32 $0x200, v2;
	_ =	sdelay $0x3  }
0x20b: {  	[tilespmem:s18+$0x8980] =	vst v4  }
0x20c: {  	v4 =	vld.idx.msk [tilespmem:v51+s2+$0x0], $0xffff  }
0x20d: {  	v52 =	vor.u32 $0x280, v3;
	_ =	sdelay $0x3  }
0x20e: {  	[tilespmem:s18+$0xFF80] =	vst v4  }
0x20f: {  	v4 =	vld.idx.msk [tilespmem:v52+s2+$0x0], $0xffff  }
0x210: {  	v53 =	vor.u32 $0x280, v2;
	_ =	sdelay $0x3  }
0x211: {  	[tilespmem:s18+$0x8A00] =	vst v4  }
0x212: {  	v4 =	vld.idx.msk [tilespmem:v53+s2+$0x0], $0xffff  }
0x213: {  	v54 =	vor.u32 $0x300, v3;
	_ =	sdelay $0x3  }
0x214: {  	[tilespmem:s18+$0x10000] =	vst v4  }
0x215: {  	v4 =	vld.idx.msk [tilespmem:v54+s2+$0x0], $0xffff  }
0x216: {  	v55 =	vor.u32 $0x300, v2;
	_ =	sdelay $0x3  }
0x217: {  	[tilespmem:s18+$0x8A80] =	vst v4  }
0x218: {  	v4 =	vld.idx.msk [tilespmem:v55+s2+$0x0], $0xffff  }
0x219: {  	v56 =	vor.u32 $0x380, v3;
	_ =	sdelay $0x3  }
0x21a: {  	[tilespmem:s18+$0x10080] =	vst v4  }
0x21b: {  	s19 =	sadd.s32 $0x1, s19;
	v4 =	vld.idx.msk [tilespmem:v56+s2+$0x0], $0xffff  }
0x21c: {  	s19 =	sand.u32 $0x7, s19;
	v57 =	vor.u32 $0x380, v2  }
0x21d: {  	s19 =	sshll.u32 s19, $0x4  }
0x21e: {  	s19 =	sadd.s32 s19, s29  }
0x21f: {  	s19 =	sor.u32 $0x380, s19  }
0x220: {  	[tilespmem:s19+$0x8780] =	vst v4  }
0x221: {  	v4 =	vld.idx.msk [tilespmem:v57+s2+$0x0], $0xffff  }
0x222: {  	v58 =	vadd.s32 $0x4000, v3;
	_ =	sdelay $0x3  }
0x223: {  	[tilespmem:s18+$0x10100] =	vst v4  }
0x224: {  	v4 =	vld.idx.msk [tilespmem:v58+s2+$0x0], $0xffff  }
0x225: {  	v59 =	vadd.s32 $0x4000, v2;
	_ =	sdelay $0x3  }
0x226: {  	[tilespmem:s18+$0xC380] =	vst v4  }
0x227: {  	v4 =	vld.idx.msk [tilespmem:v59+s2+$0x0], $0xffff  }
0x228: {  	v60 =	vadd.s32 $0x4080, v3;
	_ =	sdelay $0x3  }
0x229: {  	[tilespmem:s18+$0x10180] =	vst v4  }
0x22a: {  	v4 =	vld.idx.msk [tilespmem:v60+s2+$0x0], $0xffff  }
0x22b: {  	v61 =	vadd.s32 $0x4080, v2;
	_ =	sdelay $0x3  }
0x22c: {  	[tilespmem:s18+$0xC400] =	vst v4  }
0x22d: {  	v4 =	vld.idx.msk [tilespmem:v61+s2+$0x0], $0xffff  }
0x22e: {  	v62 =	vadd.s32 $0x4100, v3;
	_ =	sdelay $0x3  }
0x22f: {  	[tilespmem:s18+$0x10200] =	vst v4  }
0x230: {  	v4 =	vld.idx.msk [tilespmem:v62+s2+$0x0], $0xffff  }
0x231: {  	v63 =	vadd.s32 $0x4100, v2;
	_ =	sdelay $0x3  }
0x232: {  	[tilespmem:s18+$0xC480] =	vst v4  }
0x233: {  	v4 =	vld.idx.msk [tilespmem:v63+s2+$0x0], $0xffff  }
0x234: {  	v3 =	vadd.s32 $0x4180, v3;
	_ =	sdelay $0x3  }
0x235: {  	[tilespmem:s18+$0x10280] =	vst v4  }
0x236: {  	v3 =	vld.idx.msk [tilespmem:v3+s2+$0x0], $0xffff  }
0x237: {  	v2 =	vadd.s32 $0x4180, v2;
	_ =	sdelay $0x3  }
0x238: {  	[tilespmem:s18+$0xC500] =	vst v3  }
0x239: {  	v2 =	vld.idx.msk [tilespmem:v2+s2+$0x0], $0xffff;
	_ =	sdelay $0x2  }
0x23a: {  	s17 =	sadd.s32 $0x1, s17  }
0x23b: {  	p0 =	sne.s32 s17, s9  }
.Ltmp2:
0x23c: {  	[tilespmem:s18+$0x10300] =	vst v2;
	(pc) =	sbr.rel @p0 .LBB2_1-.Ltmp2, $4  }
0x23d: {  	[hbm4b:s8+s14] =	stream.strided.scatter [tilespmem:s16], [sflag:$0x1], $0xB400, s15, s14, $0x38;
	[tilespmem:$0x13B80] =	vst v63  }
0x23e: {  	_ =	swait.ge [sflag:s11], $0xB400  }
0x23f: {  	[sflag:s11] =	ssyncset.done $0x0  }
0x240: {  	[sflag:s11] =	ssyncadd.s32 $0xFFFF4C00  }
0x241: {  	_ =	sfence.sel $0x180000  }
0x242: {  	[bflag:$0x0] =	sbarrier.arrive $0xFFFF  }
0x243: {  	p0 =	sne.s32 s0, $0x0;
	_ =	strace $0x90000047  }
0x244: {  	s0 =	sadd.s32 @!p0 $0x100000, s1;
	[bflag:$0x2] =	sbarrier.arrive $0xFFFF  }
0x245: {  	[sflag:s0] =	ssyncadd.tile.s32 @!p0 $0x1;
	_ =	shalt  }
.Lfunc_end2:
_tile_overlayer_lowered:
.L_overlay_start_2:
0x246: {  	(tag) =	ssettag $0x2  }
0x247: {  	s0 =	rddreg [dreg:$0x0];
	s2 =	stileid.u32  }
0x248: {  	s1 =	rddreg [dreg:$0x1];
	p0 =	sne.s32 s2, $0x0  }
0x249: {  	s3 =	rddreg [dreg:$0x2];
	[bflag:$0x3] =	sbarrier.arrive $0xFFFF;
	s2 =	simm.s32 @!p0 $0x1C01  }
0x24a: {  	[timem:s3], [sflag:s2] =	dma.local @!p0 [hbm:s0], s1  }
0x24b: {  	s0 =	simm.s32 @!p0 $0x1  }
0x24c: {  	_ =	swait.ge @!p0 [sflag:s0], s1  }
0x24d: {  	s1 =	ssub.s32 @!p0 $0x0, s1;
	[sflag:s0] =	ssyncset.done @!p0 $0x0  }
0x24e: {  	[sflag:s0] =	ssyncadd.s32 @!p0 s1  }
0x24f: {  	[bflag:$0x3] =	sbarrier.arrive $0xFFFF  }
0x250: {  	_ =	shalt  }

</sc_bundles>
